<compile_context>
chip_gen: v7x
topology: tpu7x:2x2x1
jax: 0.10.2.dev20260603
libtpu: 0.0.44.dev20260713+nightly
codegen_flags: <defaults>
</compile_context>

<pallas_src>
import functools
import jax
import jax.numpy as jnp
from jax import lax
from jax.experimental import pallas as pl
from jax.experimental.pallas import tpu as pltpu
from jax.experimental.pallas import tpu_sc as plsc

_CHUNK = 128
_NBUF = 5


@functools.lru_cache(maxsize=None)
def _build(n_total, vocab, dim):
    info = plsc.get_sparse_core_info()
    nc, ns = info.num_cores, info.num_subcores
    nw = nc * ns
    assert n_total % (nw * _CHUNK * _NBUF) == 0
    nch = n_total // (nw * _CHUNK)
    ngrp = nch // _NBUF

    mesh = plsc.VectorSubcoreMesh(core_axis_name="c", subcore_axis_name="s")

    out_struct = jax.ShapeDtypeStruct((n_total, dim), jnp.float32)

    @functools.partial(
        pl.kernel,
        mesh=mesh,
        out_type=(out_struct, out_struct),
        scratch_types=[
            pltpu.VMEM((nch, _CHUNK), jnp.int32),
            pltpu.VMEM((_NBUF, _CHUNK, dim), jnp.float32),
            pltpu.SemaphoreType.DMA((_NBUF,)),
            pltpu.SemaphoreType.DMA((_NBUF,)),
            pltpu.SemaphoreType.DMA((_NBUF,)),
        ],
    )
    def emb(idx_hbm, table_hbm, out_hbm, out2_hbm, idx_v, rows_v, gsem, wsem,
            w2sem):
        wid = lax.axis_index("s") * nc + lax.axis_index("c")
        pltpu.sync_copy(idx_hbm.at[wid], idx_v)
        base = wid * nch

        def start_gather(j, b):
            pltpu.async_copy(table_hbm.at[idx_v.at[j]], rows_v.at[b], gsem.at[b])

        def wait_gather(j, b):
            pltpu.make_async_copy(
                table_hbm.at[idx_v.at[j]], rows_v.at[b], gsem.at[b]
            ).wait()

        def start_write(j, b):
            pltpu.async_copy(
                rows_v.at[b], out_hbm.at[pl.ds((base + j) * _CHUNK, _CHUNK)],
                wsem.at[b],
            )
            pltpu.async_copy(
                rows_v.at[b], out2_hbm.at[pl.ds((base + j) * _CHUNK, _CHUNK)],
                w2sem.at[b],
            )

        def wait_write(j, b):
            pltpu.make_async_copy(
                rows_v.at[b], out_hbm.at[pl.ds((base + j) * _CHUNK, _CHUNK)],
                wsem.at[b],
            ).wait()
            pltpu.make_async_copy(
                rows_v.at[b], out2_hbm.at[pl.ds((base + j) * _CHUNK, _CHUNK)],
                w2sem.at[b],
            ).wait()

        for b in range(_NBUF):
            start_gather(b, b)

        def group(g, carry):
            j0 = g * _NBUF
            for b in range(_NBUF):
                wait_gather(j0 + b, b)
                start_write(j0 + b, b)
            for b in range(_NBUF):
                wait_write(j0 + b, b)
                start_gather(j0 + _NBUF + b, b)
            return carry

        lax.fori_loop(0, ngrp - 1, group, 0)

        j0 = (ngrp - 1) * _NBUF
        for b in range(_NBUF):
            wait_gather(j0 + b, b)
            start_write(j0 + b, b)
        for b in range(_NBUF):
            wait_write(j0 + b, b)

    return emb, nw, nch


def kernel(input_x, table):
    b, h = input_x.shape
    v, d = table.shape
    n = b * h
    emb, nw, nch = _build(n, v, d)
    idx = input_x.reshape(nw, nch, _CHUNK).astype(jnp.int32)
    out1, out2 = emb(idx, table)
    return (out1.reshape(b, h, d), out2.reshape(b, h, d))

# --- scband reference (transcript-rebuilt; emitter-appended) ---
"""Pipeline reference for scband-embedding-collection-66623532696261 (READ-ONLY COPY).

The authoritative reference and input builder live on the scoring server;
editing this copy changes nothing except your own understanding.
"""

import jax, jax.numpy as jnp
import numpy as np

VOCAB = 100000
EMBED_DIM = 128
BATCH = 4096
HIST = 200

def setup_inputs(seed: int = 0) -> dict:
    key = jax.random.key(seed)
    k_idx, k_tab = jax.random.split(key)
    input_x = jax.random.randint(k_idx, (BATCH, HIST), 0, VOCAB, dtype=jnp.int64 if jax.config.read('jax_enable_x64') else jnp.int32)
    table = jax.random.normal(k_tab, (VOCAB, EMBED_DIM), dtype=jnp.float32)
    return {"input_x": input_x, "table": table}

def reference(input_x, table):
    # EmbeddingCollection.forward: embedding lookup, returned twice
    embedding_x = jnp.take(table, input_x, axis=0)
    return (embedding_x, embedding_x)

if __name__ == "__main__":
    import jax
    _d = setup_inputs()
    print(jax.jit(kernel)(*tuple(_d.values())))

</pallas_src>

<mosaic_0001>
#map = affine_map<(d0, d1) -> (0, 0, 0)>
#map1 = affine_map<(d0, d1) -> (0, 0)>
module attributes {stable_mosaic.version = 14 : i64} {
  func.func @emb(%arg0: i32, %arg1: i32, %arg2: memref<32x200x128xi32, #tpu.memory_space<hbm>>, %arg3: memref<100000x128xf32, #tpu.memory_space<hbm>>, %arg4: memref<819200x128xf32, #tpu.memory_space<hbm>>, %arg5: memref<819200x128xf32, #tpu.memory_space<hbm>>, %arg6: memref<200x128xi32, #tpu.memory_space<vmem>>, %arg7: memref<5x128x128xf32, #tpu.memory_space<vmem>>, %arg8: memref<5x!tpu.dma_semaphore, #tpu.memory_space<semaphore_mem>>, %arg9: memref<5x!tpu.dma_semaphore, #tpu.memory_space<semaphore_mem>>, %arg10: memref<5x!tpu.dma_semaphore, #tpu.memory_space<semaphore_mem>>) attributes {dimension_semantics = [#tpu.dimension_semantics<core_parallel>, #tpu.dimension_semantics<subcore_parallel>], iteration_bounds = array<i64: 2, 16>, scalar_prefetch = 0 : i64, scratch_operands = 5 : i64, tpu.core_type = #tpu.core_type<sc_vector_subcore>, window_params = [{transform_indices = #map}, {transform_indices = #map1}, {transform_indices = #map1}, {transform_indices = #map1}]} {
    %mul3A = arith.constant 2 : i32
    %mul3A_0 = arith.muli %arg1, %mul3A : i32
    %add3A = arith.addi %mul3A_0, %arg0 : i32
    "tpu.region"() ({
      %run_scoped3A = tpu.sem_alloc : memref<!tpu.dma_semaphore, #tpu.memory_space<semaphore_mem>>
      %dma_start3A_556 = arith.constant 0 : i32
      %dma_start3A_557 = arith.constant 0 : i32
      %dma_start3A_558 = tpu.memref_slice %arg2[%add3A, %dma_start3A_556, %dma_start3A_557] : memref<32x200x128xi32, #tpu.memory_space<hbm>> -> memref<1x200x128xi32, #tpu.memory_space<hbm>>
      %dma_start3A_559 = tpu.memref_squeeze %dma_start3A_558 : memref<1x200x128xi32, #tpu.memory_space<hbm>> -> memref<200x128xi32, #tpu.memory_space<hbm>>
      %dma_start3A_560 = arith.constant 0 : i32
      %dma_start3A_561 = arith.constant 0 : i32
      %dma_start3A_562 = tpu.memref_slice %arg2[%add3A, %dma_start3A_560, %dma_start3A_561] : memref<32x200x128xi32, #tpu.memory_space<hbm>> -> memref<1x200x128xi32, #tpu.memory_space<hbm>>
      %dma_start3A_563 = tpu.memref_squeeze %dma_start3A_562 : memref<1x200x128xi32, #tpu.memory_space<hbm>> -> memref<200x128xi32, #tpu.memory_space<hbm>>
      tpu.enqueue_dma source(%dma_start3A_563 : memref<200x128xi32, #tpu.memory_space<hbm>>) target(%arg6 : memref<200x128xi32, #tpu.memory_space<vmem>>) target_semaphore(%run_scoped3A : memref<!tpu.dma_semaphore, #tpu.memory_space<semaphore_mem>>)
      %dma_wait3A_564 = arith.constant 0 : i32
      %dma_wait3A_565 = arith.constant 0 : i32
      %dma_wait3A_566 = tpu.memref_slice %arg2[%add3A, %dma_wait3A_564, %dma_wait3A_565] : memref<32x200x128xi32, #tpu.memory_space<hbm>> -> memref<1x200x128xi32, #tpu.memory_space<hbm>>
      %dma_wait3A_567 = tpu.memref_squeeze %dma_wait3A_566 : memref<1x200x128xi32, #tpu.memory_space<hbm>> -> memref<200x128xi32, #tpu.memory_space<hbm>>
      %dma_wait3A_568 = arith.constant 0 : i32
      %dma_wait3A_569 = arith.constant 0 : i32
      %dma_wait3A_570 = tpu.memref_slice %arg2[%add3A, %dma_wait3A_568, %dma_wait3A_569] : memref<32x200x128xi32, #tpu.memory_space<hbm>> -> memref<1x200x128xi32, #tpu.memory_space<hbm>>
      %dma_wait3A_571 = tpu.memref_squeeze %dma_wait3A_570 : memref<1x200x128xi32, #tpu.memory_space<hbm>> -> memref<200x128xi32, #tpu.memory_space<hbm>>
      tpu.wait_dma2 semaphore(%run_scoped3A : memref<!tpu.dma_semaphore, #tpu.memory_space<semaphore_mem>>) src(%dma_wait3A_571 : memref<200x128xi32, #tpu.memory_space<hbm>>) dst(%arg6 : memref<200x128xi32, #tpu.memory_space<vmem>>)
      tpu.yield
    }) : () -> ()
    %mul3A_1 = arith.constant 200 : i32
    %mul3A_2 = arith.muli %add3A, %mul3A_1 : i32
    %dma_start3A = arith.constant 0 : i32
    %dma_start3A_3 = arith.constant 0 : i32
    %dma_start3A_4 = arith.constant 0 : i32
    %dma_start3A_5 = arith.constant 0 : i32
    %dma_start3A_6 = arith.constant 0 : i32
    %dma_start3A_7 = tpu.memref_slice %arg7[%dma_start3A_3, %dma_start3A_5, %dma_start3A_6] : memref<5x128x128xf32, #tpu.memory_space<vmem>> -> memref<1x128x128xf32, #tpu.memory_space<vmem>>
    %dma_start3A_8 = tpu.memref_squeeze %dma_start3A_7 : memref<1x128x128xf32, #tpu.memory_space<vmem>> -> memref<128x128xf32, #tpu.memory_space<vmem>>
    %dma_start3A_9 = arith.constant 0 : i32
    %dma_start3A_10 = tpu.memref_slice %arg6[%dma_start3A, %dma_start3A_9] : memref<200x128xi32, #tpu.memory_space<vmem>> -> memref<1x128xi32, #tpu.memory_space<vmem>>
    %dma_start3A_11 = tpu.memref_squeeze %dma_start3A_10 : memref<1x128xi32, #tpu.memory_space<vmem>> -> memref<128xi32, #tpu.memory_space<vmem>>
    %dma_start3A_12 = arith.constant 0 : i32
    %dma_start3A_13 = arith.constant 0 : i32
    %dma_start3A_14 = tpu.memref_slice %arg3[%dma_start3A_12, %dma_start3A_13] : memref<100000x128xf32, #tpu.memory_space<hbm>> -> memref<100000x128xf32, #tpu.memory_space<hbm>>
    %dma_start3A_15 = tpu.memref_slice %arg8[%dma_start3A_4] : memref<5x!tpu.dma_semaphore, #tpu.memory_space<semaphore_mem>> -> memref<1x!tpu.dma_semaphore, #tpu.memory_space<semaphore_mem>>
    %dma_start3A_16 = tpu.memref_squeeze %dma_start3A_15 : memref<1x!tpu.dma_semaphore, #tpu.memory_space<semaphore_mem>> -> memref<!tpu.dma_semaphore, #tpu.memory_space<semaphore_mem>>
    tpu.enqueue_indirect_dma source(%dma_start3A_14 : memref<100000x128xf32, #tpu.memory_space<hbm>>) target(%dma_start3A_8 : memref<128x128xf32, #tpu.memory_space<vmem>>) offsets(%dma_start3A_11 : memref<128xi32, #tpu.memory_space<vmem>>) semaphore(%dma_start3A_16 : memref<!tpu.dma_semaphore, #tpu.memory_space<semaphore_mem>>)
    %dma_start3A_17 = arith.constant 1 : i32
    %dma_start3A_18 = arith.constant 1 : i32
    %dma_start3A_19 = arith.constant 1 : i32
    %dma_start3A_20 = arith.constant 0 : i32
    %dma_start3A_21 = arith.constant 0 : i32
    %dma_start3A_22 = tpu.memref_slice %arg7[%dma_start3A_18, %dma_start3A_20, %dma_start3A_21] : memref<5x128x128xf32, #tpu.memory_space<vmem>> -> memref<1x128x128xf32, #tpu.memory_space<vmem>>
    %dma_start3A_23 = tpu.memref_squeeze %dma_start3A_22 : memref<1x128x128xf32, #tpu.memory_space<vmem>> -> memref<128x128xf32, #tpu.memory_space<vmem>>
    %dma_start3A_24 = arith.constant 0 : i32
    %dma_start3A_25 = tpu.memref_slice %arg6[%dma_start3A_17, %dma_start3A_24] : memref<200x128xi32, #tpu.memory_space<vmem>> -> memref<1x128xi32, #tpu.memory_space<vmem>>
    %dma_start3A_26 = tpu.memref_squeeze %dma_start3A_25 : memref<1x128xi32, #tpu.memory_space<vmem>> -> memref<128xi32, #tpu.memory_space<vmem>>
    %dma_start3A_27 = arith.constant 0 : i32
    %dma_start3A_28 = arith.constant 0 : i32
    %dma_start3A_29 = tpu.memref_slice %arg3[%dma_start3A_27, %dma_start3A_28] : memref<100000x128xf32, #tpu.memory_space<hbm>> -> memref<100000x128xf32, #tpu.memory_space<hbm>>
    %dma_start3A_30 = tpu.memref_slice %arg8[%dma_start3A_19] : memref<5x!tpu.dma_semaphore, #tpu.memory_space<semaphore_mem>> -> memref<1x!tpu.dma_semaphore, #tpu.memory_space<semaphore_mem>>
    %dma_start3A_31 = tpu.memref_squeeze %dma_start3A_30 : memref<1x!tpu.dma_semaphore, #tpu.memory_space<semaphore_mem>> -> memref<!tpu.dma_semaphore, #tpu.memory_space<semaphore_mem>>
    tpu.enqueue_indirect_dma source(%dma_start3A_29 : memref<100000x128xf32, #tpu.memory_space<hbm>>) target(%dma_start3A_23 : memref<128x128xf32, #tpu.memory_space<vmem>>) offsets(%dma_start3A_26 : memref<128xi32, #tpu.memory_space<vmem>>) semaphore(%dma_start3A_31 : memref<!tpu.dma_semaphore, #tpu.memory_space<semaphore_mem>>)
    %dma_start3A_32 = arith.constant 2 : i32
    %dma_start3A_33 = arith.constant 2 : i32
    %dma_start3A_34 = arith.constant 2 : i32
    %dma_start3A_35 = arith.constant 0 : i32
    %dma_start3A_36 = arith.constant 0 : i32
    %dma_start3A_37 = tpu.memref_slice %arg7[%dma_start3A_33, %dma_start3A_35, %dma_start3A_36] : memref<5x128x128xf32, #tpu.memory_space<vmem>> -> memref<1x128x128xf32, #tpu.memory_space<vmem>>
    %dma_start3A_38 = tpu.memref_squeeze %dma_start3A_37 : memref<1x128x128xf32, #tpu.memory_space<vmem>> -> memref<128x128xf32, #tpu.memory_space<vmem>>
    %dma_start3A_39 = arith.constant 0 : i32
    %dma_start3A_40 = tpu.memref_slice %arg6[%dma_start3A_32, %dma_start3A_39] : memref<200x128xi32, #tpu.memory_space<vmem>> -> memref<1x128xi32, #tpu.memory_space<vmem>>
    %dma_start3A_41 = tpu.memref_squeeze %dma_start3A_40 : memref<1x128xi32, #tpu.memory_space<vmem>> -> memref<128xi32, #tpu.memory_space<vmem>>
    %dma_start3A_42 = arith.constant 0 : i32
    %dma_start3A_43 = arith.constant 0 : i32
    %dma_start3A_44 = tpu.memref_slice %arg3[%dma_start3A_42, %dma_start3A_43] : memref<100000x128xf32, #tpu.memory_space<hbm>> -> memref<100000x128xf32, #tpu.memory_space<hbm>>
    %dma_start3A_45 = tpu.memref_slice %arg8[%dma_start3A_34] : memref<5x!tpu.dma_semaphore, #tpu.memory_space<semaphore_mem>> -> memref<1x!tpu.dma_semaphore, #tpu.memory_space<semaphore_mem>>
    %dma_start3A_46 = tpu.memref_squeeze %dma_start3A_45 : memref<1x!tpu.dma_semaphore, #tpu.memory_space<semaphore_mem>> -> memref<!tpu.dma_semaphore, #tpu.memory_space<semaphore_mem>>
    tpu.enqueue_indirect_dma source(%dma_start3A_44 : memref<100000x128xf32, #tpu.memory_space<hbm>>) target(%dma_start3A_38 : memref<128x128xf32, #tpu.memory_space<vmem>>) offsets(%dma_start3A_41 : memref<128xi32, #tpu.memory_space<vmem>>) semaphore(%dma_start3A_46 : memref<!tpu.dma_semaphore, #tpu.memory_space<semaphore_mem>>)
    %dma_start3A_47 = arith.constant 3 : i32
    %dma_start3A_48 = arith.constant 3 : i32
    %dma_start3A_49 = arith.constant 3 : i32
    %dma_start3A_50 = arith.constant 0 : i32
    %dma_start3A_51 = arith.constant 0 : i32
    %dma_start3A_52 = tpu.memref_slice %arg7[%dma_start3A_48, %dma_start3A_50, %dma_start3A_51] : memref<5x128x128xf32, #tpu.memory_space<vmem>> -> memref<1x128x128xf32, #tpu.memory_space<vmem>>
    %dma_start3A_53 = tpu.memref_squeeze %dma_start3A_52 : memref<1x128x128xf32, #tpu.memory_space<vmem>> -> memref<128x128xf32, #tpu.memory_space<vmem>>
    %dma_start3A_54 = arith.constant 0 : i32
    %dma_start3A_55 = tpu.memref_slice %arg6[%dma_start3A_47, %dma_start3A_54] : memref<200x128xi32, #tpu.memory_space<vmem>> -> memref<1x128xi32, #tpu.memory_space<vmem>>
    %dma_start3A_56 = tpu.memref_squeeze %dma_start3A_55 : memref<1x128xi32, #tpu.memory_space<vmem>> -> memref<128xi32, #tpu.memory_space<vmem>>
    %dma_start3A_57 = arith.constant 0 : i32
    %dma_start3A_58 = arith.constant 0 : i32
    %dma_start3A_59 = tpu.memref_slice %arg3[%dma_start3A_57, %dma_start3A_58] : memref<100000x128xf32, #tpu.memory_space<hbm>> -> memref<100000x128xf32, #tpu.memory_space<hbm>>
    %dma_start3A_60 = tpu.memref_slice %arg8[%dma_start3A_49] : memref<5x!tpu.dma_semaphore, #tpu.memory_space<semaphore_mem>> -> memref<1x!tpu.dma_semaphore, #tpu.memory_space<semaphore_mem>>
    %dma_start3A_61 = tpu.memref_squeeze %dma_start3A_60 : memref<1x!tpu.dma_semaphore, #tpu.memory_space<semaphore_mem>> -> memref<!tpu.dma_semaphore, #tpu.memory_space<semaphore_mem>>
    tpu.enqueue_indirect_dma source(%dma_start3A_59 : memref<100000x128xf32, #tpu.memory_space<hbm>>) target(%dma_start3A_53 : memref<128x128xf32, #tpu.memory_space<vmem>>) offsets(%dma_start3A_56 : memref<128xi32, #tpu.memory_space<vmem>>) semaphore(%dma_start3A_61 : memref<!tpu.dma_semaphore, #tpu.memory_space<semaphore_mem>>)
    %dma_start3A_62 = arith.constant 4 : i32
    %dma_start3A_63 = arith.constant 4 : i32
    %dma_start3A_64 = arith.constant 4 : i32
    %dma_start3A_65 = arith.constant 0 : i32
    %dma_start3A_66 = arith.constant 0 : i32
    %dma_start3A_67 = tpu.memref_slice %arg7[%dma_start3A_63, %dma_start3A_65, %dma_start3A_66] : memref<5x128x128xf32, #tpu.memory_space<vmem>> -> memref<1x128x128xf32, #tpu.memory_space<vmem>>
    %dma_start3A_68 = tpu.memref_squeeze %dma_start3A_67 : memref<1x128x128xf32, #tpu.memory_space<vmem>> -> memref<128x128xf32, #tpu.memory_space<vmem>>
    %dma_start3A_69 = arith.constant 0 : i32
    %dma_start3A_70 = tpu.memref_slice %arg6[%dma_start3A_62, %dma_start3A_69] : memref<200x128xi32, #tpu.memory_space<vmem>> -> memref<1x128xi32, #tpu.memory_space<vmem>>
    %dma_start3A_71 = tpu.memref_squeeze %dma_start3A_70 : memref<1x128xi32, #tpu.memory_space<vmem>> -> memref<128xi32, #tpu.memory_space<vmem>>
    %dma_start3A_72 = arith.constant 0 : i32
    %dma_start3A_73 = arith.constant 0 : i32
    %dma_start3A_74 = tpu.memref_slice %arg3[%dma_start3A_72, %dma_start3A_73] : memref<100000x128xf32, #tpu.memory_space<hbm>> -> memref<100000x128xf32, #tpu.memory_space<hbm>>
    %dma_start3A_75 = tpu.memref_slice %arg8[%dma_start3A_64] : memref<5x!tpu.dma_semaphore, #tpu.memory_space<semaphore_mem>> -> memref<1x!tpu.dma_semaphore, #tpu.memory_space<semaphore_mem>>
    %dma_start3A_76 = tpu.memref_squeeze %dma_start3A_75 : memref<1x!tpu.dma_semaphore, #tpu.memory_space<semaphore_mem>> -> memref<!tpu.dma_semaphore, #tpu.memory_space<semaphore_mem>>
    tpu.enqueue_indirect_dma source(%dma_start3A_74 : memref<100000x128xf32, #tpu.memory_space<hbm>>) target(%dma_start3A_68 : memref<128x128xf32, #tpu.memory_space<vmem>>) offsets(%dma_start3A_71 : memref<128xi32, #tpu.memory_space<vmem>>) semaphore(%dma_start3A_76 : memref<!tpu.dma_semaphore, #tpu.memory_space<semaphore_mem>>)
    %scan3A = arith.constant 0 : i32
    %scan3A_77 = arith.constant 0 : i32
    %scan3A_78 = arith.constant 39 : i32
    %scan3A_79 = arith.addi %scan3A_77, %scan3A_78 : i32
    %scan3A_80 = arith.constant 1 : i32
    scf.for %scan3A_556 = %scan3A_77 to %scan3A_79 step %scan3A_80  : i32 {
      %mul3A_557 = arith.constant 5 : i32
      %mul3A_558 = arith.muli %scan3A_556, %mul3A_557 : i32
      %add3A_559 = arith.constant 0 : i32
      %add3A_560 = arith.addi %mul3A_558, %add3A_559 : i32
      %dma_wait3A_561 = arith.constant 0 : i32
      %dma_wait3A_562 = arith.constant 0 : i32
      %dma_wait3A_563 = arith.constant 0 : i32
      %dma_wait3A_564 = arith.constant 0 : i32
      %dma_wait3A_565 = tpu.memref_slice %arg7[%dma_wait3A_561, %dma_wait3A_563, %dma_wait3A_564] : memref<5x128x128xf32, #tpu.memory_space<vmem>> -> memref<1x128x128xf32, #tpu.memory_space<vmem>>
      %dma_wait3A_566 = tpu.memref_squeeze %dma_wait3A_565 : memref<1x128x128xf32, #tpu.memory_space<vmem>> -> memref<128x128xf32, #tpu.memory_space<vmem>>
      %dma_wait3A_567 = arith.constant 0 : i32
      %dma_wait3A_568 = tpu.memref_slice %arg6[%add3A_560, %dma_wait3A_567] : memref<200x128xi32, #tpu.memory_space<vmem>> -> memref<1x128xi32, #tpu.memory_space<vmem>>
      %dma_wait3A_569 = tpu.memref_squeeze %dma_wait3A_568 : memref<1x128xi32, #tpu.memory_space<vmem>> -> memref<128xi32, #tpu.memory_space<vmem>>
      %dma_wait3A_570 = arith.constant 0 : i32
      %dma_wait3A_571 = arith.constant 0 : i32
      %dma_wait3A_572 = tpu.memref_slice %arg3[%dma_wait3A_570, %dma_wait3A_571] : memref<100000x128xf32, #tpu.memory_space<hbm>> -> memref<100000x128xf32, #tpu.memory_space<hbm>>
      %dma_wait3A_573 = tpu.memref_slice %arg8[%dma_wait3A_562] : memref<5x!tpu.dma_semaphore, #tpu.memory_space<semaphore_mem>> -> memref<1x!tpu.dma_semaphore, #tpu.memory_space<semaphore_mem>>
      %dma_wait3A_574 = tpu.memref_squeeze %dma_wait3A_573 : memref<1x!tpu.dma_semaphore, #tpu.memory_space<semaphore_mem>> -> memref<!tpu.dma_semaphore, #tpu.memory_space<semaphore_mem>>
      tpu.wait_indirect_dma semaphore(%dma_wait3A_574 : memref<!tpu.dma_semaphore, #tpu.memory_space<semaphore_mem>>) src(%dma_wait3A_572 : memref<100000x128xf32, #tpu.memory_space<hbm>>) dst(%dma_wait3A_566 : memref<128x128xf32, #tpu.memory_space<vmem>>)
      %add3A_575 = arith.constant 0 : i32
      %add3A_576 = arith.addi %mul3A_558, %add3A_575 : i32
      %add3A_577 = arith.addi %mul3A_2, %add3A_576 : i32
      %mul3A_578 = arith.constant 128 : i32
      %mul3A_579 = arith.muli %add3A_577, %mul3A_578 : i32
      %dma_start3A_580 = arith.constant 0 : i32
      %dma_start3A_581 = arith.constant 0 : i32
      %dma_start3A_582 = arith.constant 0 : i32
      %dma_start3A_583 = arith.constant 0 : i32
      %dma_start3A_584 = tpu.memref_slice %arg7[%dma_start3A_580, %dma_start3A_582, %dma_start3A_583] : memref<5x128x128xf32, #tpu.memory_space<vmem>> -> memref<1x128x128xf32, #tpu.memory_space<vmem>>
      %dma_start3A_585 = tpu.memref_squeeze %dma_start3A_584 : memref<1x128x128xf32, #tpu.memory_space<vmem>> -> memref<128x128xf32, #tpu.memory_space<vmem>>
      %dma_start3A_586 = arith.constant 0 : i32
      %dma_start3A_587 = tpu.memref_slice %arg4[%mul3A_579, %dma_start3A_586] : memref<819200x128xf32, #tpu.memory_space<hbm>> -> memref<128x128xf32, #tpu.memory_space<hbm>>
      %dma_start3A_588 = tpu.memref_slice %arg9[%dma_start3A_581] : memref<5x!tpu.dma_semaphore, #tpu.memory_space<semaphore_mem>> -> memref<1x!tpu.dma_semaphore, #tpu.memory_space<semaphore_mem>>
      %dma_start3A_589 = tpu.memref_squeeze %dma_start3A_588 : memref<1x!tpu.dma_semaphore, #tpu.memory_space<semaphore_mem>> -> memref<!tpu.dma_semaphore, #tpu.memory_space<semaphore_mem>>
      %dma_start3A_590 = arith.constant 0 : i32
      %dma_start3A_591 = tpu.memref_slice %arg4[%mul3A_579, %dma_start3A_590] : memref<819200x128xf32, #tpu.memory_space<hbm>> -> memref<128x128xf32, #tpu.memory_space<hbm>>
      %dma_start3A_592 = arith.constant 0 : i32
      %dma_start3A_593 = arith.constant 0 : i32
      %dma_start3A_594 = tpu.memref_slice %arg7[%dma_start3A_580, %dma_start3A_592, %dma_start3A_593] : memref<5x128x128xf32, #tpu.memory_space<vmem>> -> memref<1x128x128xf32, #tpu.memory_space<vmem>>
      %dma_start3A_595 = tpu.memref_squeeze %dma_start3A_594 : memref<1x128x128xf32, #tpu.memory_space<vmem>> -> memref<128x128xf32, #tpu.memory_space<vmem>>
      tpu.enqueue_dma source(%dma_start3A_595 : memref<128x128xf32, #tpu.memory_space<vmem>>) target(%dma_start3A_591 : memref<128x128xf32, #tpu.memory_space<hbm>>) target_semaphore(%dma_start3A_589 : memref<!tpu.dma_semaphore, #tpu.memory_space<semaphore_mem>>)
      %add3A_596 = arith.addi %mul3A_2, %add3A_576 : i32
      %mul3A_597 = arith.constant 128 : i32
      %mul3A_598 = arith.muli %add3A_596, %mul3A_597 : i32
      %dma_start3A_599 = arith.constant 0 : i32
      %dma_start3A_600 = arith.constant 0 : i32
      %dma_start3A_601 = arith.constant 0 : i32
      %dma_start3A_602 = arith.constant 0 : i32
      %dma_start3A_603 = tpu.memref_slice %arg7[%dma_start3A_599, %dma_start3A_601, %dma_start3A_602] : memref<5x128x128xf32, #tpu.memory_space<vmem>> -> memref<1x128x128xf32, #tpu.memory_space<vmem>>
      %dma_start3A_604 = tpu.memref_squeeze %dma_start3A_603 : memref<1x128x128xf32, #tpu.memory_space<vmem>> -> memref<128x128xf32, #tpu.memory_space<vmem>>
      %dma_start3A_605 = arith.constant 0 : i32
      %dma_start3A_606 = tpu.memref_slice %arg5[%mul3A_598, %dma_start3A_605] : memref<819200x128xf32, #tpu.memory_space<hbm>> -> memref<128x128xf32, #tpu.memory_space<hbm>>
      %dma_start3A_607 = tpu.memref_slice %arg10[%dma_start3A_600] : memref<5x!tpu.dma_semaphore, #tpu.memory_space<semaphore_mem>> -> memref<1x!tpu.dma_semaphore, #tpu.memory_space<semaphore_mem>>
      %dma_start3A_608 = tpu.memref_squeeze %dma_start3A_607 : memref<1x!tpu.dma_semaphore, #tpu.memory_space<semaphore_mem>> -> memref<!tpu.dma_semaphore, #tpu.memory_space<semaphore_mem>>
      %dma_start3A_609 = arith.constant 0 : i32
      %dma_start3A_610 = tpu.memref_slice %arg5[%mul3A_598, %dma_start3A_609] : memref<819200x128xf32, #tpu.memory_space<hbm>> -> memref<128x128xf32, #tpu.memory_space<hbm>>
      %dma_start3A_611 = arith.constant 0 : i32
      %dma_start3A_612 = arith.constant 0 : i32
      %dma_start3A_613 = tpu.memref_slice %arg7[%dma_start3A_599, %dma_start3A_611, %dma_start3A_612] : memref<5x128x128xf32, #tpu.memory_space<vmem>> -> memref<1x128x128xf32, #tpu.memory_space<vmem>>
      %dma_start3A_614 = tpu.memref_squeeze %dma_start3A_613 : memref<1x128x128xf32, #tpu.memory_space<vmem>> -> memref<128x128xf32, #tpu.memory_space<vmem>>
      tpu.enqueue_dma source(%dma_start3A_614 : memref<128x128xf32, #tpu.memory_space<vmem>>) target(%dma_start3A_610 : memref<128x128xf32, #tpu.memory_space<hbm>>) target_semaphore(%dma_start3A_608 : memref<!tpu.dma_semaphore, #tpu.memory_space<semaphore_mem>>)
      %add3A_615 = arith.constant 1 : i32
      %add3A_616 = arith.addi %mul3A_558, %add3A_615 : i32
      %dma_wait3A_617 = arith.constant 1 : i32
      %dma_wait3A_618 = arith.constant 1 : i32
      %dma_wait3A_619 = arith.constant 0 : i32
      %dma_wait3A_620 = arith.constant 0 : i32
      %dma_wait3A_621 = tpu.memref_slice %arg7[%dma_wait3A_617, %dma_wait3A_619, %dma_wait3A_620] : memref<5x128x128xf32, #tpu.memory_space<vmem>> -> memref<1x128x128xf32, #tpu.memory_space<vmem>>
      %dma_wait3A_622 = tpu.memref_squeeze %dma_wait3A_621 : memref<1x128x128xf32, #tpu.memory_space<vmem>> -> memref<128x128xf32, #tpu.memory_space<vmem>>
      %dma_wait3A_623 = arith.constant 0 : i32
      %dma_wait3A_624 = tpu.memref_slice %arg6[%add3A_616, %dma_wait3A_623] : memref<200x128xi32, #tpu.memory_space<vmem>> -> memref<1x128xi32, #tpu.memory_space<vmem>>
      %dma_wait3A_625 = tpu.memref_squeeze %dma_wait3A_624 : memref<1x128xi32, #tpu.memory_space<vmem>> -> memref<128xi32, #tpu.memory_space<vmem>>
      %dma_wait3A_626 = arith.constant 0 : i32
      %dma_wait3A_627 = arith.constant 0 : i32
      %dma_wait3A_628 = tpu.memref_slice %arg3[%dma_wait3A_626, %dma_wait3A_627] : memref<100000x128xf32, #tpu.memory_space<hbm>> -> memref<100000x128xf32, #tpu.memory_space<hbm>>
      %dma_wait3A_629 = tpu.memref_slice %arg8[%dma_wait3A_618] : memref<5x!tpu.dma_semaphore, #tpu.memory_space<semaphore_mem>> -> memref<1x!tpu.dma_semaphore, #tpu.memory_space<semaphore_mem>>
      %dma_wait3A_630 = tpu.memref_squeeze %dma_wait3A_629 : memref<1x!tpu.dma_semaphore, #tpu.memory_space<semaphore_mem>> -> memref<!tpu.dma_semaphore, #tpu.memory_space<semaphore_mem>>
      tpu.wait_indirect_dma semaphore(%dma_wait3A_630 : memref<!tpu.dma_semaphore, #tpu.memory_space<semaphore_mem>>) src(%dma_wait3A_628 : memref<100000x128xf32, #tpu.memory_space<hbm>>) dst(%dma_wait3A_622 : memref<128x128xf32, #tpu.memory_space<vmem>>)
      %add3A_631 = arith.constant 1 : i32
      %add3A_632 = arith.addi %mul3A_558, %add3A_631 : i32
      %add3A_633 = arith.addi %mul3A_2, %add3A_632 : i32
      %mul3A_634 = arith.constant 128 : i32
      %mul3A_635 = arith.muli %add3A_633, %mul3A_634 : i32
      %dma_start3A_636 = arith.constant 1 : i32
      %dma_start3A_637 = arith.constant 1 : i32
      %dma_start3A_638 = arith.constant 0 : i32
      %dma_start3A_639 = arith.constant 0 : i32
      %dma_start3A_640 = tpu.memref_slice %arg7[%dma_start3A_636, %dma_start3A_638, %dma_start3A_639] : memref<5x128x128xf32, #tpu.memory_space<vmem>> -> memref<1x128x128xf32, #tpu.memory_space<vmem>>
      %dma_start3A_641 = tpu.memref_squeeze %dma_start3A_640 : memref<1x128x128xf32, #tpu.memory_space<vmem>> -> memref<128x128xf32, #tpu.memory_space<vmem>>
      %dma_start3A_642 = arith.constant 0 : i32
      %dma_start3A_643 = tpu.memref_slice %arg4[%mul3A_635, %dma_start3A_642] : memref<819200x128xf32, #tpu.memory_space<hbm>> -> memref<128x128xf32, #tpu.memory_space<hbm>>
      %dma_start3A_644 = tpu.memref_slice %arg9[%dma_start3A_637] : memref<5x!tpu.dma_semaphore, #tpu.memory_space<semaphore_mem>> -> memref<1x!tpu.dma_semaphore, #tpu.memory_space<semaphore_mem>>
      %dma_start3A_645 = tpu.memref_squeeze %dma_start3A_644 : memref<1x!tpu.dma_semaphore, #tpu.memory_space<semaphore_mem>> -> memref<!tpu.dma_semaphore, #tpu.memory_space<semaphore_mem>>
      %dma_start3A_646 = arith.constant 0 : i32
      %dma_start3A_647 = tpu.memref_slice %arg4[%mul3A_635, %dma_start3A_646] : memref<819200x128xf32, #tpu.memory_space<hbm>> -> memref<128x128xf32, #tpu.memory_space<hbm>>
      %dma_start3A_648 = arith.constant 0 : i32
      %dma_start3A_649 = arith.constant 0 : i32
      %dma_start3A_650 = tpu.memref_slice %arg7[%dma_start3A_636, %dma_start3A_648, %dma_start3A_649] : memref<5x128x128xf32, #tpu.memory_space<vmem>> -> memref<1x128x128xf32, #tpu.memory_space<vmem>>
      %dma_start3A_651 = tpu.memref_squeeze %dma_start3A_650 : memref<1x128x128xf32, #tpu.memory_space<vmem>> -> memref<128x128xf32, #tpu.memory_space<vmem>>
      tpu.enqueue_dma source(%dma_start3A_651 : memref<128x128xf32, #tpu.memory_space<vmem>>) target(%dma_start3A_647 : memref<128x128xf32, #tpu.memory_space<hbm>>) target_semaphore(%dma_start3A_645 : memref<!tpu.dma_semaphore, #tpu.memory_space<semaphore_mem>>)
      %add3A_652 = arith.addi %mul3A_2, %add3A_632 : i32
      %mul3A_653 = arith.constant 128 : i32
      %mul3A_654 = arith.muli %add3A_652, %mul3A_653 : i32
      %dma_start3A_655 = arith.constant 1 : i32
      %dma_start3A_656 = arith.constant 1 : i32
      %dma_start3A_657 = arith.constant 0 : i32
      %dma_start3A_658 = arith.constant 0 : i32
      %dma_start3A_659 = tpu.memref_slice %arg7[%dma_start3A_655, %dma_start3A_657, %dma_start3A_658] : memref<5x128x128xf32, #tpu.memory_space<vmem>> -> memref<1x128x128xf32, #tpu.memory_space<vmem>>
      %dma_start3A_660 = tpu.memref_squeeze %dma_start3A_659 : memref<1x128x128xf32, #tpu.memory_space<vmem>> -> memref<128x128xf32, #tpu.memory_space<vmem>>
      %dma_start3A_661 = arith.constant 0 : i32
      %dma_start3A_662 = tpu.memref_slice %arg5[%mul3A_654, %dma_start3A_661] : memref<819200x128xf32, #tpu.memory_space<hbm>> -> memref<128x128xf32, #tpu.memory_space<hbm>>
      %dma_start3A_663 = tpu.memref_slice %arg10[%dma_start3A_656] : memref<5x!tpu.dma_semaphore, #tpu.memory_space<semaphore_mem>> -> memref<1x!tpu.dma_semaphore, #tpu.memory_space<semaphore_mem>>
      %dma_start3A_664 = tpu.memref_squeeze %dma_start3A_663 : memref<1x!tpu.dma_semaphore, #tpu.memory_space<semaphore_mem>> -> memref<!tpu.dma_semaphore, #tpu.memory_space<semaphore_mem>>
      %dma_start3A_665 = arith.constant 0 : i32
      %dma_start3A_666 = tpu.memref_slice %arg5[%mul3A_654, %dma_start3A_665] : memref<819200x128xf32, #tpu.memory_space<hbm>> -> memref<128x128xf32, #tpu.memory_space<hbm>>
      %dma_start3A_667 = arith.constant 0 : i32
      %dma_start3A_668 = arith.constant 0 : i32
      %dma_start3A_669 = tpu.memref_slice %arg7[%dma_start3A_655, %dma_start3A_667, %dma_start3A_668] : memref<5x128x128xf32, #tpu.memory_space<vmem>> -> memref<1x128x128xf32, #tpu.memory_space<vmem>>
      %dma_start3A_670 = tpu.memref_squeeze %dma_start3A_669 : memref<1x128x128xf32, #tpu.memory_space<vmem>> -> memref<128x128xf32, #tpu.memory_space<vmem>>
      tpu.enqueue_dma source(%dma_start3A_670 : memref<128x128xf32, #tpu.memory_space<vmem>>) target(%dma_start3A_666 : memref<128x128xf32, #tpu.memory_space<hbm>>) target_semaphore(%dma_start3A_664 : memref<!tpu.dma_semaphore, #tpu.memory_space<semaphore_mem>>)
      %add3A_671 = arith.constant 2 : i32
      %add3A_672 = arith.addi %mul3A_558, %add3A_671 : i32
      %dma_wait3A_673 = arith.constant 2 : i32
      %dma_wait3A_674 = arith.constant 2 : i32
      %dma_wait3A_675 = arith.constant 0 : i32
      %dma_wait3A_676 = arith.constant 0 : i32
      %dma_wait3A_677 = tpu.memref_slice %arg7[%dma_wait3A_673, %dma_wait3A_675, %dma_wait3A_676] : memref<5x128x128xf32, #tpu.memory_space<vmem>> -> memref<1x128x128xf32, #tpu.memory_space<vmem>>
      %dma_wait3A_678 = tpu.memref_squeeze %dma_wait3A_677 : memref<1x128x128xf32, #tpu.memory_space<vmem>> -> memref<128x128xf32, #tpu.memory_space<vmem>>
      %dma_wait3A_679 = arith.constant 0 : i32
      %dma_wait3A_680 = tpu.memref_slice %arg6[%add3A_672, %dma_wait3A_679] : memref<200x128xi32, #tpu.memory_space<vmem>> -> memref<1x128xi32, #tpu.memory_space<vmem>>
      %dma_wait3A_681 = tpu.memref_squeeze %dma_wait3A_680 : memref<1x128xi32, #tpu.memory_space<vmem>> -> memref<128xi32, #tpu.memory_space<vmem>>
      %dma_wait3A_682 = arith.constant 0 : i32
      %dma_wait3A_683 = arith.constant 0 : i32
      %dma_wait3A_684 = tpu.memref_slice %arg3[%dma_wait3A_682, %dma_wait3A_683] : memref<100000x128xf32, #tpu.memory_space<hbm>> -> memref<100000x128xf32, #tpu.memory_space<hbm>>
      %dma_wait3A_685 = tpu.memref_slice %arg8[%dma_wait3A_674] : memref<5x!tpu.dma_semaphore, #tpu.memory_space<semaphore_mem>> -> memref<1x!tpu.dma_semaphore, #tpu.memory_space<semaphore_mem>>
      %dma_wait3A_686 = tpu.memref_squeeze %dma_wait3A_685 : memref<1x!tpu.dma_semaphore, #tpu.memory_space<semaphore_mem>> -> memref<!tpu.dma_semaphore, #tpu.memory_space<semaphore_mem>>
      tpu.wait_indirect_dma semaphore(%dma_wait3A_686 : memref<!tpu.dma_semaphore, #tpu.memory_space<semaphore_mem>>) src(%dma_wait3A_684 : memref<100000x128xf32, #tpu.memory_space<hbm>>) dst(%dma_wait3A_678 : memref<128x128xf32, #tpu.memory_space<vmem>>)
      %add3A_687 = arith.constant 2 : i32
      %add3A_688 = arith.addi %mul3A_558, %add3A_687 : i32
      %add3A_689 = arith.addi %mul3A_2, %add3A_688 : i32
      %mul3A_690 = arith.constant 128 : i32
      %mul3A_691 = arith.muli %add3A_689, %mul3A_690 : i32
      %dma_start3A_692 = arith.constant 2 : i32
      %dma_start3A_693 = arith.constant 2 : i32
      %dma_start3A_694 = arith.constant 0 : i32
      %dma_start3A_695 = arith.constant 0 : i32
      %dma_start3A_696 = tpu.memref_slice %arg7[%dma_start3A_692, %dma_start3A_694, %dma_start3A_695] : memref<5x128x128xf32, #tpu.memory_space<vmem>> -> memref<1x128x128xf32, #tpu.memory_space<vmem>>
      %dma_start3A_697 = tpu.memref_squeeze %dma_start3A_696 : memref<1x128x128xf32, #tpu.memory_space<vmem>> -> memref<128x128xf32, #tpu.memory_space<vmem>>
      %dma_start3A_698 = arith.constant 0 : i32
      %dma_start3A_699 = tpu.memref_slice %arg4[%mul3A_691, %dma_start3A_698] : memref<819200x128xf32, #tpu.memory_space<hbm>> -> memref<128x128xf32, #tpu.memory_space<hbm>>
      %dma_start3A_700 = tpu.memref_slice %arg9[%dma_start3A_693] : memref<5x!tpu.dma_semaphore, #tpu.memory_space<semaphore_mem>> -> memref<1x!tpu.dma_semaphore, #tpu.memory_space<semaphore_mem>>
      %dma_start3A_701 = tpu.memref_squeeze %dma_start3A_700 : memref<1x!tpu.dma_semaphore, #tpu.memory_space<semaphore_mem>> -> memref<!tpu.dma_semaphore, #tpu.memory_space<semaphore_mem>>
      %dma_start3A_702 = arith.constant 0 : i32
      %dma_start3A_703 = tpu.memref_slice %arg4[%mul3A_691, %dma_start3A_702] : memref<819200x128xf32, #tpu.memory_space<hbm>> -> memref<128x128xf32, #tpu.memory_space<hbm>>
      %dma_start3A_704 = arith.constant 0 : i32
      %dma_start3A_705 = arith.constant 0 : i32
      %dma_start3A_706 = tpu.memref_slice %arg7[%dma_start3A_692, %dma_start3A_704, %dma_start3A_705] : memref<5x128x128xf32, #tpu.memory_space<vmem>> -> memref<1x128x128xf32, #tpu.memory_space<vmem>>
      %dma_start3A_707 = tpu.memref_squeeze %dma_start3A_706 : memref<1x128x128xf32, #tpu.memory_space<vmem>> -> memref<128x128xf32, #tpu.memory_space<vmem>>
      tpu.enqueue_dma source(%dma_start3A_707 : memref<128x128xf32, #tpu.memory_space<vmem>>) target(%dma_start3A_703 : memref<128x128xf32, #tpu.memory_space<hbm>>) target_semaphore(%dma_start3A_701 : memref<!tpu.dma_semaphore, #tpu.memory_space<semaphore_mem>>)
      %add3A_708 = arith.addi %mul3A_2, %add3A_688 : i32
      %mul3A_709 = arith.constant 128 : i32
      %mul3A_710 = arith.muli %add3A_708, %mul3A_709 : i32
      %dma_start3A_711 = arith.constant 2 : i32
      %dma_start3A_712 = arith.constant 2 : i32
      %dma_start3A_713 = arith.constant 0 : i32
      %dma_start3A_714 = arith.constant 0 : i32
      %dma_start3A_715 = tpu.memref_slice %arg7[%dma_start3A_711, %dma_start3A_713, %dma_start3A_714] : memref<5x128x128xf32, #tpu.memory_space<vmem>> -> memref<1x128x128xf32, #tpu.memory_space<vmem>>
      %dma_start3A_716 = tpu.memref_squeeze %dma_start3A_715 : memref<1x128x128xf32, #tpu.memory_space<vmem>> -> memref<128x128xf32, #tpu.memory_space<vmem>>
      %dma_start3A_717 = arith.constant 0 : i32
      %dma_start3A_718 = tpu.memref_slice %arg5[%mul3A_710, %dma_start3A_717] : memref<819200x128xf32, #tpu.memory_space<hbm>> -> memref<128x128xf32, #tpu.memory_space<hbm>>
      %dma_start3A_719 = tpu.memref_slice %arg10[%dma_start3A_712] : memref<5x!tpu.dma_semaphore, #tpu.memory_space<semaphore_mem>> -> memref<1x!tpu.dma_semaphore, #tpu.memory_space<semaphore_mem>>
      %dma_start3A_720 = tpu.memref_squeeze %dma_start3A_719 : memref<1x!tpu.dma_semaphore, #tpu.memory_space<semaphore_mem>> -> memref<!tpu.dma_semaphore, #tpu.memory_space<semaphore_mem>>
      %dma_start3A_721 = arith.constant 0 : i32
      %dma_start3A_722 = tpu.memref_slice %arg5[%mul3A_710, %dma_start3A_721] : memref<819200x128xf32, #tpu.memory_space<hbm>> -> memref<128x128xf32, #tpu.memory_space<hbm>>
      %dma_start3A_723 = arith.constant 0 : i32
      %dma_start3A_724 = arith.constant 0 : i32
      %dma_start3A_725 = tpu.memref_slice %arg7[%dma_start3A_711, %dma_start3A_723, %dma_start3A_724] : memref<5x128x128xf32, #tpu.memory_space<vmem>> -> memref<1x128x128xf32, #tpu.memory_space<vmem>>
      %dma_start3A_726 = tpu.memref_squeeze %dma_start3A_725 : memref<1x128x128xf32, #tpu.memory_space<vmem>> -> memref<128x128xf32, #tpu.memory_space<vmem>>
      tpu.enqueue_dma source(%dma_start3A_726 : memref<128x128xf32, #tpu.memory_space<vmem>>) target(%dma_start3A_722 : memref<128x128xf32, #tpu.memory_space<hbm>>) target_semaphore(%dma_start3A_720 : memref<!tpu.dma_semaphore, #tpu.memory_space<semaphore_mem>>)
      %add3A_727 = arith.constant 3 : i32
      %add3A_728 = arith.addi %mul3A_558, %add3A_727 : i32
      %dma_wait3A_729 = arith.constant 3 : i32
      %dma_wait3A_730 = arith.constant 3 : i32
      %dma_wait3A_731 = arith.constant 0 : i32
      %dma_wait3A_732 = arith.constant 0 : i32
      %dma_wait3A_733 = tpu.memref_slice %arg7[%dma_wait3A_729, %dma_wait3A_731, %dma_wait3A_732] : memref<5x128x128xf32, #tpu.memory_space<vmem>> -> memref<1x128x128xf32, #tpu.memory_space<vmem>>
      %dma_wait3A_734 = tpu.memref_squeeze %dma_wait3A_733 : memref<1x128x128xf32, #tpu.memory_space<vmem>> -> memref<128x128xf32, #tpu.memory_space<vmem>>
      %dma_wait3A_735 = arith.constant 0 : i32
      %dma_wait3A_736 = tpu.memref_slice %arg6[%add3A_728, %dma_wait3A_735] : memref<200x128xi32, #tpu.memory_space<vmem>> -> memref<1x128xi32, #tpu.memory_space<vmem>>
      %dma_wait3A_737 = tpu.memref_squeeze %dma_wait3A_736 : memref<1x128xi32, #tpu.memory_space<vmem>> -> memref<128xi32, #tpu.memory_space<vmem>>
      %dma_wait3A_738 = arith.constant 0 : i32
      %dma_wait3A_739 = arith.constant 0 : i32
      %dma_wait3A_740 = tpu.memref_slice %arg3[%dma_wait3A_738, %dma_wait3A_739] : memref<100000x128xf32, #tpu.memory_space<hbm>> -> memref<100000x128xf32, #tpu.memory_space<hbm>>
      %dma_wait3A_741 = tpu.memref_slice %arg8[%dma_wait3A_730] : memref<5x!tpu.dma_semaphore, #tpu.memory_space<semaphore_mem>> -> memref<1x!tpu.dma_semaphore, #tpu.memory_space<semaphore_mem>>
      %dma_wait3A_742 = tpu.memref_squeeze %dma_wait3A_741 : memref<1x!tpu.dma_semaphore, #tpu.memory_space<semaphore_mem>> -> memref<!tpu.dma_semaphore, #tpu.memory_space<semaphore_mem>>
      tpu.wait_indirect_dma semaphore(%dma_wait3A_742 : memref<!tpu.dma_semaphore, #tpu.memory_space<semaphore_mem>>) src(%dma_wait3A_740 : memref<100000x128xf32, #tpu.memory_space<hbm>>) dst(%dma_wait3A_734 : memref<128x128xf32, #tpu.memory_space<vmem>>)
      %add3A_743 = arith.constant 3 : i32
      %add3A_744 = arith.addi %mul3A_558, %add3A_743 : i32
      %add3A_745 = arith.addi %mul3A_2, %add3A_744 : i32
      %mul3A_746 = arith.constant 128 : i32
      %mul3A_747 = arith.muli %add3A_745, %mul3A_746 : i32
      %dma_start3A_748 = arith.constant 3 : i32
      %dma_start3A_749 = arith.constant 3 : i32
      %dma_start3A_750 = arith.constant 0 : i32
      %dma_start3A_751 = arith.constant 0 : i32
      %dma_start3A_752 = tpu.memref_slice %arg7[%dma_start3A_748, %dma_start3A_750, %dma_start3A_751] : memref<5x128x128xf32, #tpu.memory_space<vmem>> -> memref<1x128x128xf32, #tpu.memory_space<vmem>>
      %dma_start3A_753 = tpu.memref_squeeze %dma_start3A_752 : memref<1x128x128xf32, #tpu.memory_space<vmem>> -> memref<128x128xf32, #tpu.memory_space<vmem>>
      %dma_start3A_754 = arith.constant 0 : i32
      %dma_start3A_755 = tpu.memref_slice %arg4[%mul3A_747, %dma_start3A_754] : memref<819200x128xf32, #tpu.memory_space<hbm>> -> memref<128x128xf32, #tpu.memory_space<hbm>>
      %dma_start3A_756 = tpu.memref_slice %arg9[%dma_start3A_749] : memref<5x!tpu.dma_semaphore, #tpu.memory_space<semaphore_mem>> -> memref<1x!tpu.dma_semaphore, #tpu.memory_space<semaphore_mem>>
      %dma_start3A_757 = tpu.memref_squeeze %dma_start3A_756 : memref<1x!tpu.dma_semaphore, #tpu.memory_space<semaphore_mem>> -> memref<!tpu.dma_semaphore, #tpu.memory_space<semaphore_mem>>
      %dma_start3A_758 = arith.constant 0 : i32
      %dma_start3A_759 = tpu.memref_slice %arg4[%mul3A_747, %dma_start3A_758] : memref<819200x128xf32, #tpu.memory_space<hbm>> -> memref<128x128xf32, #tpu.memory_space<hbm>>
      %dma_start3A_760 = arith.constant 0 : i32
      %dma_start3A_761 = arith.constant 0 : i32
      %dma_start3A_762 = tpu.memref_slice %arg7[%dma_start3A_748, %dma_start3A_760, %dma_start3A_761] : memref<5x128x128xf32, #tpu.memory_space<vmem>> -> memref<1x128x128xf32, #tpu.memory_space<vmem>>
      %dma_start3A_763 = tpu.memref_squeeze %dma_start3A_762 : memref<1x128x128xf32, #tpu.memory_space<vmem>> -> memref<128x128xf32, #tpu.memory_space<vmem>>
      tpu.enqueue_dma source(%dma_start3A_763 : memref<128x128xf32, #tpu.memory_space<vmem>>) target(%dma_start3A_759 : memref<128x128xf32, #tpu.memory_space<hbm>>) target_semaphore(%dma_start3A_757 : memref<!tpu.dma_semaphore, #tpu.memory_space<semaphore_mem>>)
      %add3A_764 = arith.addi %mul3A_2, %add3A_744 : i32
      %mul3A_765 = arith.constant 128 : i32
      %mul3A_766 = arith.muli %add3A_764, %mul3A_765 : i32
      %dma_start3A_767 = arith.constant 3 : i32
      %dma_start3A_768 = arith.constant 3 : i32
      %dma_start3A_769 = arith.constant 0 : i32
      %dma_start3A_770 = arith.constant 0 : i32
      %dma_start3A_771 = tpu.memref_slice %arg7[%dma_start3A_767, %dma_start3A_769, %dma_start3A_770] : memref<5x128x128xf32, #tpu.memory_space<vmem>> -> memref<1x128x128xf32, #tpu.memory_space<vmem>>
      %dma_start3A_772 = tpu.memref_squeeze %dma_start3A_771 : memref<1x128x128xf32, #tpu.memory_space<vmem>> -> memref<128x128xf32, #tpu.memory_space<vmem>>
      %dma_start3A_773 = arith.constant 0 : i32
      %dma_start3A_774 = tpu.memref_slice %arg5[%mul3A_766, %dma_start3A_773] : memref<819200x128xf32, #tpu.memory_space<hbm>> -> memref<128x128xf32, #tpu.memory_space<hbm>>
      %dma_start3A_775 = tpu.memref_slice %arg10[%dma_start3A_768] : memref<5x!tpu.dma_semaphore, #tpu.memory_space<semaphore_mem>> -> memref<1x!tpu.dma_semaphore, #tpu.memory_space<semaphore_mem>>
      %dma_start3A_776 = tpu.memref_squeeze %dma_start3A_775 : memref<1x!tpu.dma_semaphore, #tpu.memory_space<semaphore_mem>> -> memref<!tpu.dma_semaphore, #tpu.memory_space<semaphore_mem>>
      %dma_start3A_777 = arith.constant 0 : i32
      %dma_start3A_778 = tpu.memref_slice %arg5[%mul3A_766, %dma_start3A_777] : memref<819200x128xf32, #tpu.memory_space<hbm>> -> memref<128x128xf32, #tpu.memory_space<hbm>>
      %dma_start3A_779 = arith.constant 0 : i32
      %dma_start3A_780 = arith.constant 0 : i32
      %dma_start3A_781 = tpu.memref_slice %arg7[%dma_start3A_767, %dma_start3A_779, %dma_start3A_780] : memref<5x128x128xf32, #tpu.memory_space<vmem>> -> memref<1x128x128xf32, #tpu.memory_space<vmem>>
      %dma_start3A_782 = tpu.memref_squeeze %dma_start3A_781 : memref<1x128x128xf32, #tpu.memory_space<vmem>> -> memref<128x128xf32, #tpu.memory_space<vmem>>
      tpu.enqueue_dma source(%dma_start3A_782 : memref<128x128xf32, #tpu.memory_space<vmem>>) target(%dma_start3A_778 : memref<128x128xf32, #tpu.memory_space<hbm>>) target_semaphore(%dma_start3A_776 : memref<!tpu.dma_semaphore, #tpu.memory_space<semaphore_mem>>)
      %add3A_783 = arith.constant 4 : i32
      %add3A_784 = arith.addi %mul3A_558, %add3A_783 : i32
      %dma_wait3A_785 = arith.constant 4 : i32
      %dma_wait3A_786 = arith.constant 4 : i32
      %dma_wait3A_787 = arith.constant 0 : i32
      %dma_wait3A_788 = arith.constant 0 : i32
      %dma_wait3A_789 = tpu.memref_slice %arg7[%dma_wait3A_785, %dma_wait3A_787, %dma_wait3A_788] : memref<5x128x128xf32, #tpu.memory_space<vmem>> -> memref<1x128x128xf32, #tpu.memory_space<vmem>>
      %dma_wait3A_790 = tpu.memref_squeeze %dma_wait3A_789 : memref<1x128x128xf32, #tpu.memory_space<vmem>> -> memref<128x128xf32, #tpu.memory_space<vmem>>
      %dma_wait3A_791 = arith.constant 0 : i32
      %dma_wait3A_792 = tpu.memref_slice %arg6[%add3A_784, %dma_wait3A_791] : memref<200x128xi32, #tpu.memory_space<vmem>> -> memref<1x128xi32, #tpu.memory_space<vmem>>
      %dma_wait3A_793 = tpu.memref_squeeze %dma_wait3A_792 : memref<1x128xi32, #tpu.memory_space<vmem>> -> memref<128xi32, #tpu.memory_space<vmem>>
      %dma_wait3A_794 = arith.constant 0 : i32
      %dma_wait3A_795 = arith.constant 0 : i32
      %dma_wait3A_796 = tpu.memref_slice %arg3[%dma_wait3A_794, %dma_wait3A_795] : memref<100000x128xf32, #tpu.memory_space<hbm>> -> memref<100000x128xf32, #tpu.memory_space<hbm>>
      %dma_wait3A_797 = tpu.memref_slice %arg8[%dma_wait3A_786] : memref<5x!tpu.dma_semaphore, #tpu.memory_space<semaphore_mem>> -> memref<1x!tpu.dma_semaphore, #tpu.memory_space<semaphore_mem>>
      %dma_wait3A_798 = tpu.memref_squeeze %dma_wait3A_797 : memref<1x!tpu.dma_semaphore, #tpu.memory_space<semaphore_mem>> -> memref<!tpu.dma_semaphore, #tpu.memory_space<semaphore_mem>>
      tpu.wait_indirect_dma semaphore(%dma_wait3A_798 : memref<!tpu.dma_semaphore, #tpu.memory_space<semaphore_mem>>) src(%dma_wait3A_796 : memref<100000x128xf32, #tpu.memory_space<hbm>>) dst(%dma_wait3A_790 : memref<128x128xf32, #tpu.memory_space<vmem>>)
      %add3A_799 = arith.constant 4 : i32
      %add3A_800 = arith.addi %mul3A_558, %add3A_799 : i32
      %add3A_801 = arith.addi %mul3A_2, %add3A_800 : i32
      %mul3A_802 = arith.constant 128 : i32
      %mul3A_803 = arith.muli %add3A_801, %mul3A_802 : i32
      %dma_start3A_804 = arith.constant 4 : i32
      %dma_start3A_805 = arith.constant 4 : i32
      %dma_start3A_806 = arith.constant 0 : i32
      %dma_start3A_807 = arith.constant 0 : i32
      %dma_start3A_808 = tpu.memref_slice %arg7[%dma_start3A_804, %dma_start3A_806, %dma_start3A_807] : memref<5x128x128xf32, #tpu.memory_space<vmem>> -> memref<1x128x128xf32, #tpu.memory_space<vmem>>
      %dma_start3A_809 = tpu.memref_squeeze %dma_start3A_808 : memref<1x128x128xf32, #tpu.memory_space<vmem>> -> memref<128x128xf32, #tpu.memory_space<vmem>>
      %dma_start3A_810 = arith.constant 0 : i32
      %dma_start3A_811 = tpu.memref_slice %arg4[%mul3A_803, %dma_start3A_810] : memref<819200x128xf32, #tpu.memory_space<hbm>> -> memref<128x128xf32, #tpu.memory_space<hbm>>
      %dma_start3A_812 = tpu.memref_slice %arg9[%dma_start3A_805] : memref<5x!tpu.dma_semaphore, #tpu.memory_space<semaphore_mem>> -> memref<1x!tpu.dma_semaphore, #tpu.memory_space<semaphore_mem>>
      %dma_start3A_813 = tpu.memref_squeeze %dma_start3A_812 : memref<1x!tpu.dma_semaphore, #tpu.memory_space<semaphore_mem>> -> memref<!tpu.dma_semaphore, #tpu.memory_space<semaphore_mem>>
      %dma_start3A_814 = arith.constant 0 : i32
      %dma_start3A_815 = tpu.memref_slice %arg4[%mul3A_803, %dma_start3A_814] : memref<819200x128xf32, #tpu.memory_space<hbm>> -> memref<128x128xf32, #tpu.memory_space<hbm>>
      %dma_start3A_816 = arith.constant 0 : i32
      %dma_start3A_817 = arith.constant 0 : i32
      %dma_start3A_818 = tpu.memref_slice %arg7[%dma_start3A_804, %dma_start3A_816, %dma_start3A_817] : memref<5x128x128xf32, #tpu.memory_space<vmem>> -> memref<1x128x128xf32, #tpu.memory_space<vmem>>
      %dma_start3A_819 = tpu.memref_squeeze %dma_start3A_818 : memref<1x128x128xf32, #tpu.memory_space<vmem>> -> memref<128x128xf32, #tpu.memory_space<vmem>>
      tpu.enqueue_dma source(%dma_start3A_819 : memref<128x128xf32, #tpu.memory_space<vmem>>) target(%dma_start3A_815 : memref<128x128xf32, #tpu.memory_space<hbm>>) target_semaphore(%dma_start3A_813 : memref<!tpu.dma_semaphore, #tpu.memory_space<semaphore_mem>>)
      %add3A_820 = arith.addi %mul3A_2, %add3A_800 : i32
      %mul3A_821 = arith.constant 128 : i32
      %mul3A_822 = arith.muli %add3A_820, %mul3A_821 : i32
      %dma_start3A_823 = arith.constant 4 : i32
      %dma_start3A_824 = arith.constant 4 : i32
      %dma_start3A_825 = arith.constant 0 : i32
      %dma_start3A_826 = arith.constant 0 : i32
      %dma_start3A_827 = tpu.memref_slice %arg7[%dma_start3A_823, %dma_start3A_825, %dma_start3A_826] : memref<5x128x128xf32, #tpu.memory_space<vmem>> -> memref<1x128x128xf32, #tpu.memory_space<vmem>>
      %dma_start3A_828 = tpu.memref_squeeze %dma_start3A_827 : memref<1x128x128xf32, #tpu.memory_space<vmem>> -> memref<128x128xf32, #tpu.memory_space<vmem>>
      %dma_start3A_829 = arith.constant 0 : i32
      %dma_start3A_830 = tpu.memref_slice %arg5[%mul3A_822, %dma_start3A_829] : memref<819200x128xf32, #tpu.memory_space<hbm>> -> memref<128x128xf32, #tpu.memory_space<hbm>>
      %dma_start3A_831 = tpu.memref_slice %arg10[%dma_start3A_824] : memref<5x!tpu.dma_semaphore, #tpu.memory_space<semaphore_mem>> -> memref<1x!tpu.dma_semaphore, #tpu.memory_space<semaphore_mem>>
      %dma_start3A_832 = tpu.memref_squeeze %dma_start3A_831 : memref<1x!tpu.dma_semaphore, #tpu.memory_space<semaphore_mem>> -> memref<!tpu.dma_semaphore, #tpu.memory_space<semaphore_mem>>
      %dma_start3A_833 = arith.constant 0 : i32
      %dma_start3A_834 = tpu.memref_slice %arg5[%mul3A_822, %dma_start3A_833] : memref<819200x128xf32, #tpu.memory_space<hbm>> -> memref<128x128xf32, #tpu.memory_space<hbm>>
      %dma_start3A_835 = arith.constant 0 : i32
      %dma_start3A_836 = arith.constant 0 : i32
      %dma_start3A_837 = tpu.memref_slice %arg7[%dma_start3A_823, %dma_start3A_835, %dma_start3A_836] : memref<5x128x128xf32, #tpu.memory_space<vmem>> -> memref<1x128x128xf32, #tpu.memory_space<vmem>>
      %dma_start3A_838 = tpu.memref_squeeze %dma_start3A_837 : memref<1x128x128xf32, #tpu.memory_space<vmem>> -> memref<128x128xf32, #tpu.memory_space<vmem>>
      tpu.enqueue_dma source(%dma_start3A_838 : memref<128x128xf32, #tpu.memory_space<vmem>>) target(%dma_start3A_834 : memref<128x128xf32, #tpu.memory_space<hbm>>) target_semaphore(%dma_start3A_832 : memref<!tpu.dma_semaphore, #tpu.memory_space<semaphore_mem>>)
      %add3A_839 = arith.constant 0 : i32
      %add3A_840 = arith.addi %mul3A_558, %add3A_839 : i32
      %add3A_841 = arith.addi %mul3A_2, %add3A_840 : i32
      %mul3A_842 = arith.constant 128 : i32
      %mul3A_843 = arith.muli %add3A_841, %mul3A_842 : i32
      %dma_wait3A_844 = arith.constant 0 : i32
      %dma_wait3A_845 = arith.constant 0 : i32
      %dma_wait3A_846 = arith.constant 0 : i32
      %dma_wait3A_847 = arith.constant 0 : i32
      %dma_wait3A_848 = tpu.memref_slice %arg7[%dma_wait3A_844, %dma_wait3A_846, %dma_wait3A_847] : memref<5x128x128xf32, #tpu.memory_space<vmem>> -> memref<1x128x128xf32, #tpu.memory_space<vmem>>
      %dma_wait3A_849 = tpu.memref_squeeze %dma_wait3A_848 : memref<1x128x128xf32, #tpu.memory_space<vmem>> -> memref<128x128xf32, #tpu.memory_space<vmem>>
      %dma_wait3A_850 = arith.constant 0 : i32
      %dma_wait3A_851 = tpu.memref_slice %arg4[%mul3A_843, %dma_wait3A_850] : memref<819200x128xf32, #tpu.memory_space<hbm>> -> memref<128x128xf32, #tpu.memory_space<hbm>>
      %dma_wait3A_852 = tpu.memref_slice %arg9[%dma_wait3A_845] : memref<5x!tpu.dma_semaphore, #tpu.memory_space<semaphore_mem>> -> memref<1x!tpu.dma_semaphore, #tpu.memory_space<semaphore_mem>>
      %dma_wait3A_853 = tpu.memref_squeeze %dma_wait3A_852 : memref<1x!tpu.dma_semaphore, #tpu.memory_space<semaphore_mem>> -> memref<!tpu.dma_semaphore, #tpu.memory_space<semaphore_mem>>
      %dma_wait3A_854 = arith.constant 0 : i32
      %dma_wait3A_855 = tpu.memref_slice %arg4[%mul3A_843, %dma_wait3A_854] : memref<819200x128xf32, #tpu.memory_space<hbm>> -> memref<128x128xf32, #tpu.memory_space<hbm>>
      %dma_wait3A_856 = arith.constant 0 : i32
      %dma_wait3A_857 = arith.constant 0 : i32
      %dma_wait3A_858 = tpu.memref_slice %arg7[%dma_wait3A_844, %dma_wait3A_856, %dma_wait3A_857] : memref<5x128x128xf32, #tpu.memory_space<vmem>> -> memref<1x128x128xf32, #tpu.memory_space<vmem>>
      %dma_wait3A_859 = tpu.memref_squeeze %dma_wait3A_858 : memref<1x128x128xf32, #tpu.memory_space<vmem>> -> memref<128x128xf32, #tpu.memory_space<vmem>>
      tpu.wait_dma2 semaphore(%dma_wait3A_853 : memref<!tpu.dma_semaphore, #tpu.memory_space<semaphore_mem>>) src(%dma_wait3A_859 : memref<128x128xf32, #tpu.memory_space<vmem>>) dst(%dma_wait3A_855 : memref<128x128xf32, #tpu.memory_space<hbm>>)
      %add3A_860 = arith.addi %mul3A_2, %add3A_840 : i32
      %mul3A_861 = arith.constant 128 : i32
      %mul3A_862 = arith.muli %add3A_860, %mul3A_861 : i32
      %dma_wait3A_863 = arith.constant 0 : i32
      %dma_wait3A_864 = arith.constant 0 : i32
      %dma_wait3A_865 = arith.constant 0 : i32
      %dma_wait3A_866 = arith.constant 0 : i32
      %dma_wait3A_867 = tpu.memref_slice %arg7[%dma_wait3A_863, %dma_wait3A_865, %dma_wait3A_866] : memref<5x128x128xf32, #tpu.memory_space<vmem>> -> memref<1x128x128xf32, #tpu.memory_space<vmem>>
      %dma_wait3A_868 = tpu.memref_squeeze %dma_wait3A_867 : memref<1x128x128xf32, #tpu.memory_space<vmem>> -> memref<128x128xf32, #tpu.memory_space<vmem>>
      %dma_wait3A_869 = arith.constant 0 : i32
      %dma_wait3A_870 = tpu.memref_slice %arg5[%mul3A_862, %dma_wait3A_869] : memref<819200x128xf32, #tpu.memory_space<hbm>> -> memref<128x128xf32, #tpu.memory_space<hbm>>
      %dma_wait3A_871 = tpu.memref_slice %arg10[%dma_wait3A_864] : memref<5x!tpu.dma_semaphore, #tpu.memory_space<semaphore_mem>> -> memref<1x!tpu.dma_semaphore, #tpu.memory_space<semaphore_mem>>
      %dma_wait3A_872 = tpu.memref_squeeze %dma_wait3A_871 : memref<1x!tpu.dma_semaphore, #tpu.memory_space<semaphore_mem>> -> memref<!tpu.dma_semaphore, #tpu.memory_space<semaphore_mem>>
      %dma_wait3A_873 = arith.constant 0 : i32
      %dma_wait3A_874 = tpu.memref_slice %arg5[%mul3A_862, %dma_wait3A_873] : memref<819200x128xf32, #tpu.memory_space<hbm>> -> memref<128x128xf32, #tpu.memory_space<hbm>>
      %dma_wait3A_875 = arith.constant 0 : i32
      %dma_wait3A_876 = arith.constant 0 : i32
      %dma_wait3A_877 = tpu.memref_slice %arg7[%dma_wait3A_863, %dma_wait3A_875, %dma_wait3A_876] : memref<5x128x128xf32, #tpu.memory_space<vmem>> -> memref<1x128x128xf32, #tpu.memory_space<vmem>>
      %dma_wait3A_878 = tpu.memref_squeeze %dma_wait3A_877 : memref<1x128x128xf32, #tpu.memory_space<vmem>> -> memref<128x128xf32, #tpu.memory_space<vmem>>
      tpu.wait_dma2 semaphore(%dma_wait3A_872 : memref<!tpu.dma_semaphore, #tpu.memory_space<semaphore_mem>>) src(%dma_wait3A_878 : memref<128x128xf32, #tpu.memory_space<vmem>>) dst(%dma_wait3A_874 : memref<128x128xf32, #tpu.memory_space<hbm>>)
      %add3A_879 = arith.constant 5 : i32
      %add3A_880 = arith.addi %mul3A_558, %add3A_879 : i32
      %add3A_881 = arith.constant 0 : i32
      %add3A_882 = arith.addi %add3A_880, %add3A_881 : i32
      %dma_start3A_883 = arith.constant 0 : i32
      %dma_start3A_884 = arith.constant 0 : i32
      %dma_start3A_885 = arith.constant 0 : i32
      %dma_start3A_886 = arith.constant 0 : i32
      %dma_start3A_887 = tpu.memref_slice %arg7[%dma_start3A_883, %dma_start3A_885, %dma_start3A_886] : memref<5x128x128xf32, #tpu.memory_space<vmem>> -> memref<1x128x128xf32, #tpu.memory_space<vmem>>
      %dma_start3A_888 = tpu.memref_squeeze %dma_start3A_887 : memref<1x128x128xf32, #tpu.memory_space<vmem>> -> memref<128x128xf32, #tpu.memory_space<vmem>>
      %dma_start3A_889 = arith.constant 0 : i32
      %dma_start3A_890 = tpu.memref_slice %arg6[%add3A_882, %dma_start3A_889] : memref<200x128xi32, #tpu.memory_space<vmem>> -> memref<1x128xi32, #tpu.memory_space<vmem>>
      %dma_start3A_891 = tpu.memref_squeeze %dma_start3A_890 : memref<1x128xi32, #tpu.memory_space<vmem>> -> memref<128xi32, #tpu.memory_space<vmem>>
      %dma_start3A_892 = arith.constant 0 : i32
      %dma_start3A_893 = arith.constant 0 : i32
      %dma_start3A_894 = tpu.memref_slice %arg3[%dma_start3A_892, %dma_start3A_893] : memref<100000x128xf32, #tpu.memory_space<hbm>> -> memref<100000x128xf32, #tpu.memory_space<hbm>>
      %dma_start3A_895 = tpu.memref_slice %arg8[%dma_start3A_884] : memref<5x!tpu.dma_semaphore, #tpu.memory_space<semaphore_mem>> -> memref<1x!tpu.dma_semaphore, #tpu.memory_space<semaphore_mem>>
      %dma_start3A_896 = tpu.memref_squeeze %dma_start3A_895 : memref<1x!tpu.dma_semaphore, #tpu.memory_space<semaphore_mem>> -> memref<!tpu.dma_semaphore, #tpu.memory_space<semaphore_mem>>
      tpu.enqueue_indirect_dma source(%dma_start3A_894 : memref<100000x128xf32, #tpu.memory_space<hbm>>) target(%dma_start3A_888 : memref<128x128xf32, #tpu.memory_space<vmem>>) offsets(%dma_start3A_891 : memref<128xi32, #tpu.memory_space<vmem>>) semaphore(%dma_start3A_896 : memref<!tpu.dma_semaphore, #tpu.memory_space<semaphore_mem>>)
      %add3A_897 = arith.constant 1 : i32
      %add3A_898 = arith.addi %mul3A_558, %add3A_897 : i32
      %add3A_899 = arith.addi %mul3A_2, %add3A_898 : i32
      %mul3A_900 = arith.constant 128 : i32
      %mul3A_901 = arith.muli %add3A_899, %mul3A_900 : i32
      %dma_wait3A_902 = arith.constant 1 : i32
      %dma_wait3A_903 = arith.constant 1 : i32
      %dma_wait3A_904 = arith.constant 0 : i32
      %dma_wait3A_905 = arith.constant 0 : i32
      %dma_wait3A_906 = tpu.memref_slice %arg7[%dma_wait3A_902, %dma_wait3A_904, %dma_wait3A_905] : memref<5x128x128xf32, #tpu.memory_space<vmem>> -> memref<1x128x128xf32, #tpu.memory_space<vmem>>
      %dma_wait3A_907 = tpu.memref_squeeze %dma_wait3A_906 : memref<1x128x128xf32, #tpu.memory_space<vmem>> -> memref<128x128xf32, #tpu.memory_space<vmem>>
      %dma_wait3A_908 = arith.constant 0 : i32
      %dma_wait3A_909 = tpu.memref_slice %arg4[%mul3A_901, %dma_wait3A_908] : memref<819200x128xf32, #tpu.memory_space<hbm>> -> memref<128x128xf32, #tpu.memory_space<hbm>>
      %dma_wait3A_910 = tpu.memref_slice %arg9[%dma_wait3A_903] : memref<5x!tpu.dma_semaphore, #tpu.memory_space<semaphore_mem>> -> memref<1x!tpu.dma_semaphore, #tpu.memory_space<semaphore_mem>>
      %dma_wait3A_911 = tpu.memref_squeeze %dma_wait3A_910 : memref<1x!tpu.dma_semaphore, #tpu.memory_space<semaphore_mem>> -> memref<!tpu.dma_semaphore, #tpu.memory_space<semaphore_mem>>
      %dma_wait3A_912 = arith.constant 0 : i32
      %dma_wait3A_913 = tpu.memref_slice %arg4[%mul3A_901, %dma_wait3A_912] : memref<819200x128xf32, #tpu.memory_space<hbm>> -> memref<128x128xf32, #tpu.memory_space<hbm>>
      %dma_wait3A_914 = arith.constant 0 : i32
      %dma_wait3A_915 = arith.constant 0 : i32
      %dma_wait3A_916 = tpu.memref_slice %arg7[%dma_wait3A_902, %dma_wait3A_914, %dma_wait3A_915] : memref<5x128x128xf32, #tpu.memory_space<vmem>> -> memref<1x128x128xf32, #tpu.memory_space<vmem>>
      %dma_wait3A_917 = tpu.memref_squeeze %dma_wait3A_916 : memref<1x128x128xf32, #tpu.memory_space<vmem>> -> memref<128x128xf32, #tpu.memory_space<vmem>>
      tpu.wait_dma2 semaphore(%dma_wait3A_911 : memref<!tpu.dma_semaphore, #tpu.memory_space<semaphore_mem>>) src(%dma_wait3A_917 : memref<128x128xf32, #tpu.memory_space<vmem>>) dst(%dma_wait3A_913 : memref<128x128xf32, #tpu.memory_space<hbm>>)
      %add3A_918 = arith.addi %mul3A_2, %add3A_898 : i32
      %mul3A_919 = arith.constant 128 : i32
      %mul3A_920 = arith.muli %add3A_918, %mul3A_919 : i32
      %dma_wait3A_921 = arith.constant 1 : i32
      %dma_wait3A_922 = arith.constant 1 : i32
      %dma_wait3A_923 = arith.constant 0 : i32
      %dma_wait3A_924 = arith.constant 0 : i32
      %dma_wait3A_925 = tpu.memref_slice %arg7[%dma_wait3A_921, %dma_wait3A_923, %dma_wait3A_924] : memref<5x128x128xf32, #tpu.memory_space<vmem>> -> memref<1x128x128xf32, #tpu.memory_space<vmem>>
      %dma_wait3A_926 = tpu.memref_squeeze %dma_wait3A_925 : memref<1x128x128xf32, #tpu.memory_space<vmem>> -> memref<128x128xf32, #tpu.memory_space<vmem>>
      %dma_wait3A_927 = arith.constant 0 : i32
      %dma_wait3A_928 = tpu.memref_slice %arg5[%mul3A_920, %dma_wait3A_927] : memref<819200x128xf32, #tpu.memory_space<hbm>> -> memref<128x128xf32, #tpu.memory_space<hbm>>
      %dma_wait3A_929 = tpu.memref_slice %arg10[%dma_wait3A_922] : memref<5x!tpu.dma_semaphore, #tpu.memory_space<semaphore_mem>> -> memref<1x!tpu.dma_semaphore, #tpu.memory_space<semaphore_mem>>
      %dma_wait3A_930 = tpu.memref_squeeze %dma_wait3A_929 : memref<1x!tpu.dma_semaphore, #tpu.memory_space<semaphore_mem>> -> memref<!tpu.dma_semaphore, #tpu.memory_space<semaphore_mem>>
      %dma_wait3A_931 = arith.constant 0 : i32
      %dma_wait3A_932 = tpu.memref_slice %arg5[%mul3A_920, %dma_wait3A_931] : memref<819200x128xf32, #tpu.memory_space<hbm>> -> memref<128x128xf32, #tpu.memory_space<hbm>>
      %dma_wait3A_933 = arith.constant 0 : i32
      %dma_wait3A_934 = arith.constant 0 : i32
      %dma_wait3A_935 = tpu.memref_slice %arg7[%dma_wait3A_921, %dma_wait3A_933, %dma_wait3A_934] : memref<5x128x128xf32, #tpu.memory_space<vmem>> -> memref<1x128x128xf32, #tpu.memory_space<vmem>>
      %dma_wait3A_936 = tpu.memref_squeeze %dma_wait3A_935 : memref<1x128x128xf32, #tpu.memory_space<vmem>> -> memref<128x128xf32, #tpu.memory_space<vmem>>
      tpu.wait_dma2 semaphore(%dma_wait3A_930 : memref<!tpu.dma_semaphore, #tpu.memory_space<semaphore_mem>>) src(%dma_wait3A_936 : memref<128x128xf32, #tpu.memory_space<vmem>>) dst(%dma_wait3A_932 : memref<128x128xf32, #tpu.memory_space<hbm>>)
      %add3A_937 = arith.constant 5 : i32
      %add3A_938 = arith.addi %mul3A_558, %add3A_937 : i32
      %add3A_939 = arith.constant 1 : i32
      %add3A_940 = arith.addi %add3A_938, %add3A_939 : i32
      %dma_start3A_941 = arith.constant 1 : i32
      %dma_start3A_942 = arith.constant 1 : i32
      %dma_start3A_943 = arith.constant 0 : i32
      %dma_start3A_944 = arith.constant 0 : i32
      %dma_start3A_945 = tpu.memref_slice %arg7[%dma_start3A_941, %dma_start3A_943, %dma_start3A_944] : memref<5x128x128xf32, #tpu.memory_space<vmem>> -> memref<1x128x128xf32, #tpu.memory_space<vmem>>
      %dma_start3A_946 = tpu.memref_squeeze %dma_start3A_945 : memref<1x128x128xf32, #tpu.memory_space<vmem>> -> memref<128x128xf32, #tpu.memory_space<vmem>>
      %dma_start3A_947 = arith.constant 0 : i32
      %dma_start3A_948 = tpu.memref_slice %arg6[%add3A_940, %dma_start3A_947] : memref<200x128xi32, #tpu.memory_space<vmem>> -> memref<1x128xi32, #tpu.memory_space<vmem>>
      %dma_start3A_949 = tpu.memref_squeeze %dma_start3A_948 : memref<1x128xi32, #tpu.memory_space<vmem>> -> memref<128xi32, #tpu.memory_space<vmem>>
      %dma_start3A_950 = arith.constant 0 : i32
      %dma_start3A_951 = arith.constant 0 : i32
      %dma_start3A_952 = tpu.memref_slice %arg3[%dma_start3A_950, %dma_start3A_951] : memref<100000x128xf32, #tpu.memory_space<hbm>> -> memref<100000x128xf32, #tpu.memory_space<hbm>>
      %dma_start3A_953 = tpu.memref_slice %arg8[%dma_start3A_942] : memref<5x!tpu.dma_semaphore, #tpu.memory_space<semaphore_mem>> -> memref<1x!tpu.dma_semaphore, #tpu.memory_space<semaphore_mem>>
      %dma_start3A_954 = tpu.memref_squeeze %dma_start3A_953 : memref<1x!tpu.dma_semaphore, #tpu.memory_space<semaphore_mem>> -> memref<!tpu.dma_semaphore, #tpu.memory_space<semaphore_mem>>
      tpu.enqueue_indirect_dma source(%dma_start3A_952 : memref<100000x128xf32, #tpu.memory_space<hbm>>) target(%dma_start3A_946 : memref<128x128xf32, #tpu.memory_space<vmem>>) offsets(%dma_start3A_949 : memref<128xi32, #tpu.memory_space<vmem>>) semaphore(%dma_start3A_954 : memref<!tpu.dma_semaphore, #tpu.memory_space<semaphore_mem>>)
      %add3A_955 = arith.constant 2 : i32
      %add3A_956 = arith.addi %mul3A_558, %add3A_955 : i32
      %add3A_957 = arith.addi %mul3A_2, %add3A_956 : i32
      %mul3A_958 = arith.constant 128 : i32
      %mul3A_959 = arith.muli %add3A_957, %mul3A_958 : i32
      %dma_wait3A_960 = arith.constant 2 : i32
      %dma_wait3A_961 = arith.constant 2 : i32
      %dma_wait3A_962 = arith.constant 0 : i32
      %dma_wait3A_963 = arith.constant 0 : i32
      %dma_wait3A_964 = tpu.memref_slice %arg7[%dma_wait3A_960, %dma_wait3A_962, %dma_wait3A_963] : memref<5x128x128xf32, #tpu.memory_space<vmem>> -> memref<1x128x128xf32, #tpu.memory_space<vmem>>
      %dma_wait3A_965 = tpu.memref_squeeze %dma_wait3A_964 : memref<1x128x128xf32, #tpu.memory_space<vmem>> -> memref<128x128xf32, #tpu.memory_space<vmem>>
      %dma_wait3A_966 = arith.constant 0 : i32
      %dma_wait3A_967 = tpu.memref_slice %arg4[%mul3A_959, %dma_wait3A_966] : memref<819200x128xf32, #tpu.memory_space<hbm>> -> memref<128x128xf32, #tpu.memory_space<hbm>>
      %dma_wait3A_968 = tpu.memref_slice %arg9[%dma_wait3A_961] : memref<5x!tpu.dma_semaphore, #tpu.memory_space<semaphore_mem>> -> memref<1x!tpu.dma_semaphore, #tpu.memory_space<semaphore_mem>>
      %dma_wait3A_969 = tpu.memref_squeeze %dma_wait3A_968 : memref<1x!tpu.dma_semaphore, #tpu.memory_space<semaphore_mem>> -> memref<!tpu.dma_semaphore, #tpu.memory_space<semaphore_mem>>
      %dma_wait3A_970 = arith.constant 0 : i32
      %dma_wait3A_971 = tpu.memref_slice %arg4[%mul3A_959, %dma_wait3A_970] : memref<819200x128xf32, #tpu.memory_space<hbm>> -> memref<128x128xf32, #tpu.memory_space<hbm>>
      %dma_wait3A_972 = arith.constant 0 : i32
      %dma_wait3A_973 = arith.constant 0 : i32
      %dma_wait3A_974 = tpu.memref_slice %arg7[%dma_wait3A_960, %dma_wait3A_972, %dma_wait3A_973] : memref<5x128x128xf32, #tpu.memory_space<vmem>> -> memref<1x128x128xf32, #tpu.memory_space<vmem>>
      %dma_wait3A_975 = tpu.memref_squeeze %dma_wait3A_974 : memref<1x128x128xf32, #tpu.memory_space<vmem>> -> memref<128x128xf32, #tpu.memory_space<vmem>>
      tpu.wait_dma2 semaphore(%dma_wait3A_969 : memref<!tpu.dma_semaphore, #tpu.memory_space<semaphore_mem>>) src(%dma_wait3A_975 : memref<128x128xf32, #tpu.memory_space<vmem>>) dst(%dma_wait3A_971 : memref<128x128xf32, #tpu.memory_space<hbm>>)
      %add3A_976 = arith.addi %mul3A_2, %add3A_956 : i32
      %mul3A_977 = arith.constant 128 : i32
      %mul3A_978 = arith.muli %add3A_976, %mul3A_977 : i32
      %dma_wait3A_979 = arith.constant 2 : i32
      %dma_wait3A_980 = arith.constant 2 : i32
      %dma_wait3A_981 = arith.constant 0 : i32
      %dma_wait3A_982 = arith.constant 0 : i32
      %dma_wait3A_983 = tpu.memref_slice %arg7[%dma_wait3A_979, %dma_wait3A_981, %dma_wait3A_982] : memref<5x128x128xf32, #tpu.memory_space<vmem>> -> memref<1x128x128xf32, #tpu.memory_space<vmem>>
      %dma_wait3A_984 = tpu.memref_squeeze %dma_wait3A_983 : memref<1x128x128xf32, #tpu.memory_space<vmem>> -> memref<128x128xf32, #tpu.memory_space<vmem>>
      %dma_wait3A_985 = arith.constant 0 : i32
      %dma_wait3A_986 = tpu.memref_slice %arg5[%mul3A_978, %dma_wait3A_985] : memref<819200x128xf32, #tpu.memory_space<hbm>> -> memref<128x128xf32, #tpu.memory_space<hbm>>
      %dma_wait3A_987 = tpu.memref_slice %arg10[%dma_wait3A_980] : memref<5x!tpu.dma_semaphore, #tpu.memory_space<semaphore_mem>> -> memref<1x!tpu.dma_semaphore, #tpu.memory_space<semaphore_mem>>
      %dma_wait3A_988 = tpu.memref_squeeze %dma_wait3A_987 : memref<1x!tpu.dma_semaphore, #tpu.memory_space<semaphore_mem>> -> memref<!tpu.dma_semaphore, #tpu.memory_space<semaphore_mem>>
      %dma_wait3A_989 = arith.constant 0 : i32
      %dma_wait3A_990 = tpu.memref_slice %arg5[%mul3A_978, %dma_wait3A_989] : memref<819200x128xf32, #tpu.memory_space<hbm>> -> memref<128x128xf32, #tpu.memory_space<hbm>>
      %dma_wait3A_991 = arith.constant 0 : i32
      %dma_wait3A_992 = arith.constant 0 : i32
      %dma_wait3A_993 = tpu.memref_slice %arg7[%dma_wait3A_979, %dma_wait3A_991, %dma_wait3A_992] : memref<5x128x128xf32, #tpu.memory_space<vmem>> -> memref<1x128x128xf32, #tpu.memory_space<vmem>>
      %dma_wait3A_994 = tpu.memref_squeeze %dma_wait3A_993 : memref<1x128x128xf32, #tpu.memory_space<vmem>> -> memref<128x128xf32, #tpu.memory_space<vmem>>
      tpu.wait_dma2 semaphore(%dma_wait3A_988 : memref<!tpu.dma_semaphore, #tpu.memory_space<semaphore_mem>>) src(%dma_wait3A_994 : memref<128x128xf32, #tpu.memory_space<vmem>>) dst(%dma_wait3A_990 : memref<128x128xf32, #tpu.memory_space<hbm>>)
      %add3A_995 = arith.constant 5 : i32
      %add3A_996 = arith.addi %mul3A_558, %add3A_995 : i32
      %add3A_997 = arith.constant 2 : i32
      %add3A_998 = arith.addi %add3A_996, %add3A_997 : i32
      %dma_start3A_999 = arith.constant 2 : i32
      %dma_start3A_1000 = arith.constant 2 : i32
      %dma_start3A_1001 = arith.constant 0 : i32
      %dma_start3A_1002 = arith.constant 0 : i32
      %dma_start3A_1003 = tpu.memref_slice %arg7[%dma_start3A_999, %dma_start3A_1001, %dma_start3A_1002] : memref<5x128x128xf32, #tpu.memory_space<vmem>> -> memref<1x128x128xf32, #tpu.memory_space<vmem>>
      %dma_start3A_1004 = tpu.memref_squeeze %dma_start3A_1003 : memref<1x128x128xf32, #tpu.memory_space<vmem>> -> memref<128x128xf32, #tpu.memory_space<vmem>>
      %dma_start3A_1005 = arith.constant 0 : i32
      %dma_start3A_1006 = tpu.memref_slice %arg6[%add3A_998, %dma_start3A_1005] : memref<200x128xi32, #tpu.memory_space<vmem>> -> memref<1x128xi32, #tpu.memory_space<vmem>>
      %dma_start3A_1007 = tpu.memref_squeeze %dma_start3A_1006 : memref<1x128xi32, #tpu.memory_space<vmem>> -> memref<128xi32, #tpu.memory_space<vmem>>
      %dma_start3A_1008 = arith.constant 0 : i32
      %dma_start3A_1009 = arith.constant 0 : i32
      %dma_start3A_1010 = tpu.memref_slice %arg3[%dma_start3A_1008, %dma_start3A_1009] : memref<100000x128xf32, #tpu.memory_space<hbm>> -> memref<100000x128xf32, #tpu.memory_space<hbm>>
      %dma_start3A_1011 = tpu.memref_slice %arg8[%dma_start3A_1000] : memref<5x!tpu.dma_semaphore, #tpu.memory_space<semaphore_mem>> -> memref<1x!tpu.dma_semaphore, #tpu.memory_space<semaphore_mem>>
      %dma_start3A_1012 = tpu.memref_squeeze %dma_start3A_1011 : memref<1x!tpu.dma_semaphore, #tpu.memory_space<semaphore_mem>> -> memref<!tpu.dma_semaphore, #tpu.memory_space<semaphore_mem>>
      tpu.enqueue_indirect_dma source(%dma_start3A_1010 : memref<100000x128xf32, #tpu.memory_space<hbm>>) target(%dma_start3A_1004 : memref<128x128xf32, #tpu.memory_space<vmem>>) offsets(%dma_start3A_1007 : memref<128xi32, #tpu.memory_space<vmem>>) semaphore(%dma_start3A_1012 : memref<!tpu.dma_semaphore, #tpu.memory_space<semaphore_mem>>)
      %add3A_1013 = arith.constant 3 : i32
      %add3A_1014 = arith.addi %mul3A_558, %add3A_1013 : i32
      %add3A_1015 = arith.addi %mul3A_2, %add3A_1014 : i32
      %mul3A_1016 = arith.constant 128 : i32
      %mul3A_1017 = arith.muli %add3A_1015, %mul3A_1016 : i32
      %dma_wait3A_1018 = arith.constant 3 : i32
      %dma_wait3A_1019 = arith.constant 3 : i32
      %dma_wait3A_1020 = arith.constant 0 : i32
      %dma_wait3A_1021 = arith.constant 0 : i32
      %dma_wait3A_1022 = tpu.memref_slice %arg7[%dma_wait3A_1018, %dma_wait3A_1020, %dma_wait3A_1021] : memref<5x128x128xf32, #tpu.memory_space<vmem>> -> memref<1x128x128xf32, #tpu.memory_space<vmem>>
      %dma_wait3A_1023 = tpu.memref_squeeze %dma_wait3A_1022 : memref<1x128x128xf32, #tpu.memory_space<vmem>> -> memref<128x128xf32, #tpu.memory_space<vmem>>
      %dma_wait3A_1024 = arith.constant 0 : i32
      %dma_wait3A_1025 = tpu.memref_slice %arg4[%mul3A_1017, %dma_wait3A_1024] : memref<819200x128xf32, #tpu.memory_space<hbm>> -> memref<128x128xf32, #tpu.memory_space<hbm>>
      %dma_wait3A_1026 = tpu.memref_slice %arg9[%dma_wait3A_1019] : memref<5x!tpu.dma_semaphore, #tpu.memory_space<semaphore_mem>> -> memref<1x!tpu.dma_semaphore, #tpu.memory_space<semaphore_mem>>
      %dma_wait3A_1027 = tpu.memref_squeeze %dma_wait3A_1026 : memref<1x!tpu.dma_semaphore, #tpu.memory_space<semaphore_mem>> -> memref<!tpu.dma_semaphore, #tpu.memory_space<semaphore_mem>>
      %dma_wait3A_1028 = arith.constant 0 : i32
      %dma_wait3A_1029 = tpu.memref_slice %arg4[%mul3A_1017, %dma_wait3A_1028] : memref<819200x128xf32, #tpu.memory_space<hbm>> -> memref<128x128xf32, #tpu.memory_space<hbm>>
      %dma_wait3A_1030 = arith.constant 0 : i32
      %dma_wait3A_1031 = arith.constant 0 : i32
      %dma_wait3A_1032 = tpu.memref_slice %arg7[%dma_wait3A_1018, %dma_wait3A_1030, %dma_wait3A_1031] : memref<5x128x128xf32, #tpu.memory_space<vmem>> -> memref<1x128x128xf32, #tpu.memory_space<vmem>>
      %dma_wait3A_1033 = tpu.memref_squeeze %dma_wait3A_1032 : memref<1x128x128xf32, #tpu.memory_space<vmem>> -> memref<128x128xf32, #tpu.memory_space<vmem>>
      tpu.wait_dma2 semaphore(%dma_wait3A_1027 : memref<!tpu.dma_semaphore, #tpu.memory_space<semaphore_mem>>) src(%dma_wait3A_1033 : memref<128x128xf32, #tpu.memory_space<vmem>>) dst(%dma_wait3A_1029 : memref<128x128xf32, #tpu.memory_space<hbm>>)
      %add3A_1034 = arith.addi %mul3A_2, %add3A_1014 : i32
      %mul3A_1035 = arith.constant 128 : i32
      %mul3A_1036 = arith.muli %add3A_1034, %mul3A_1035 : i32
      %dma_wait3A_1037 = arith.constant 3 : i32
      %dma_wait3A_1038 = arith.constant 3 : i32
      %dma_wait3A_1039 = arith.constant 0 : i32
      %dma_wait3A_1040 = arith.constant 0 : i32
      %dma_wait3A_1041 = tpu.memref_slice %arg7[%dma_wait3A_1037, %dma_wait3A_1039, %dma_wait3A_1040] : memref<5x128x128xf32, #tpu.memory_space<vmem>> -> memref<1x128x128xf32, #tpu.memory_space<vmem>>
      %dma_wait3A_1042 = tpu.memref_squeeze %dma_wait3A_1041 : memref<1x128x128xf32, #tpu.memory_space<vmem>> -> memref<128x128xf32, #tpu.memory_space<vmem>>
      %dma_wait3A_1043 = arith.constant 0 : i32
      %dma_wait3A_1044 = tpu.memref_slice %arg5[%mul3A_1036, %dma_wait3A_1043] : memref<819200x128xf32, #tpu.memory_space<hbm>> -> memref<128x128xf32, #tpu.memory_space<hbm>>
      %dma_wait3A_1045 = tpu.memref_slice %arg10[%dma_wait3A_1038] : memref<5x!tpu.dma_semaphore, #tpu.memory_space<semaphore_mem>> -> memref<1x!tpu.dma_semaphore, #tpu.memory_space<semaphore_mem>>
      %dma_wait3A_1046 = tpu.memref_squeeze %dma_wait3A_1045 : memref<1x!tpu.dma_semaphore, #tpu.memory_space<semaphore_mem>> -> memref<!tpu.dma_semaphore, #tpu.memory_space<semaphore_mem>>
      %dma_wait3A_1047 = arith.constant 0 : i32
      %dma_wait3A_1048 = tpu.memref_slice %arg5[%mul3A_1036, %dma_wait3A_1047] : memref<819200x128xf32, #tpu.memory_space<hbm>> -> memref<128x128xf32, #tpu.memory_space<hbm>>
      %dma_wait3A_1049 = arith.constant 0 : i32
      %dma_wait3A_1050 = arith.constant 0 : i32
      %dma_wait3A_1051 = tpu.memref_slice %arg7[%dma_wait3A_1037, %dma_wait3A_1049, %dma_wait3A_1050] : memref<5x128x128xf32, #tpu.memory_space<vmem>> -> memref<1x128x128xf32, #tpu.memory_space<vmem>>
      %dma_wait3A_1052 = tpu.memref_squeeze %dma_wait3A_1051 : memref<1x128x128xf32, #tpu.memory_space<vmem>> -> memref<128x128xf32, #tpu.memory_space<vmem>>
      tpu.wait_dma2 semaphore(%dma_wait3A_1046 : memref<!tpu.dma_semaphore, #tpu.memory_space<semaphore_mem>>) src(%dma_wait3A_1052 : memref<128x128xf32, #tpu.memory_space<vmem>>) dst(%dma_wait3A_1048 : memref<128x128xf32, #tpu.memory_space<hbm>>)
      %add3A_1053 = arith.constant 5 : i32
      %add3A_1054 = arith.addi %mul3A_558, %add3A_1053 : i32
      %add3A_1055 = arith.constant 3 : i32
      %add3A_1056 = arith.addi %add3A_1054, %add3A_1055 : i32
      %dma_start3A_1057 = arith.constant 3 : i32
      %dma_start3A_1058 = arith.constant 3 : i32
      %dma_start3A_1059 = arith.constant 0 : i32
      %dma_start3A_1060 = arith.constant 0 : i32
      %dma_start3A_1061 = tpu.memref_slice %arg7[%dma_start3A_1057, %dma_start3A_1059, %dma_start3A_1060] : memref<5x128x128xf32, #tpu.memory_space<vmem>> -> memref<1x128x128xf32, #tpu.memory_space<vmem>>
      %dma_start3A_1062 = tpu.memref_squeeze %dma_start3A_1061 : memref<1x128x128xf32, #tpu.memory_space<vmem>> -> memref<128x128xf32, #tpu.memory_space<vmem>>
      %dma_start3A_1063 = arith.constant 0 : i32
      %dma_start3A_1064 = tpu.memref_slice %arg6[%add3A_1056, %dma_start3A_1063] : memref<200x128xi32, #tpu.memory_space<vmem>> -> memref<1x128xi32, #tpu.memory_space<vmem>>
      %dma_start3A_1065 = tpu.memref_squeeze %dma_start3A_1064 : memref<1x128xi32, #tpu.memory_space<vmem>> -> memref<128xi32, #tpu.memory_space<vmem>>
      %dma_start3A_1066 = arith.constant 0 : i32
      %dma_start3A_1067 = arith.constant 0 : i32
      %dma_start3A_1068 = tpu.memref_slice %arg3[%dma_start3A_1066, %dma_start3A_1067] : memref<100000x128xf32, #tpu.memory_space<hbm>> -> memref<100000x128xf32, #tpu.memory_space<hbm>>
      %dma_start3A_1069 = tpu.memref_slice %arg8[%dma_start3A_1058] : memref<5x!tpu.dma_semaphore, #tpu.memory_space<semaphore_mem>> -> memref<1x!tpu.dma_semaphore, #tpu.memory_space<semaphore_mem>>
      %dma_start3A_1070 = tpu.memref_squeeze %dma_start3A_1069 : memref<1x!tpu.dma_semaphore, #tpu.memory_space<semaphore_mem>> -> memref<!tpu.dma_semaphore, #tpu.memory_space<semaphore_mem>>
      tpu.enqueue_indirect_dma source(%dma_start3A_1068 : memref<100000x128xf32, #tpu.memory_space<hbm>>) target(%dma_start3A_1062 : memref<128x128xf32, #tpu.memory_space<vmem>>) offsets(%dma_start3A_1065 : memref<128xi32, #tpu.memory_space<vmem>>) semaphore(%dma_start3A_1070 : memref<!tpu.dma_semaphore, #tpu.memory_space<semaphore_mem>>)
      %add3A_1071 = arith.constant 4 : i32
      %add3A_1072 = arith.addi %mul3A_558, %add3A_1071 : i32
      %add3A_1073 = arith.addi %mul3A_2, %add3A_1072 : i32
      %mul3A_1074 = arith.constant 128 : i32
      %mul3A_1075 = arith.muli %add3A_1073, %mul3A_1074 : i32
      %dma_wait3A_1076 = arith.constant 4 : i32
      %dma_wait3A_1077 = arith.constant 4 : i32
      %dma_wait3A_1078 = arith.constant 0 : i32
      %dma_wait3A_1079 = arith.constant 0 : i32
      %dma_wait3A_1080 = tpu.memref_slice %arg7[%dma_wait3A_1076, %dma_wait3A_1078, %dma_wait3A_1079] : memref<5x128x128xf32, #tpu.memory_space<vmem>> -> memref<1x128x128xf32, #tpu.memory_space<vmem>>
      %dma_wait3A_1081 = tpu.memref_squeeze %dma_wait3A_1080 : memref<1x128x128xf32, #tpu.memory_space<vmem>> -> memref<128x128xf32, #tpu.memory_space<vmem>>
      %dma_wait3A_1082 = arith.constant 0 : i32
      %dma_wait3A_1083 = tpu.memref_slice %arg4[%mul3A_1075, %dma_wait3A_1082] : memref<819200x128xf32, #tpu.memory_space<hbm>> -> memref<128x128xf32, #tpu.memory_space<hbm>>
      %dma_wait3A_1084 = tpu.memref_slice %arg9[%dma_wait3A_1077] : memref<5x!tpu.dma_semaphore, #tpu.memory_space<semaphore_mem>> -> memref<1x!tpu.dma_semaphore, #tpu.memory_space<semaphore_mem>>
      %dma_wait3A_1085 = tpu.memref_squeeze %dma_wait3A_1084 : memref<1x!tpu.dma_semaphore, #tpu.memory_space<semaphore_mem>> -> memref<!tpu.dma_semaphore, #tpu.memory_space<semaphore_mem>>
      %dma_wait3A_1086 = arith.constant 0 : i32
      %dma_wait3A_1087 = tpu.memref_slice %arg4[%mul3A_1075, %dma_wait3A_1086] : memref<819200x128xf32, #tpu.memory_space<hbm>> -> memref<128x128xf32, #tpu.memory_space<hbm>>
      %dma_wait3A_1088 = arith.constant 0 : i32
      %dma_wait3A_1089 = arith.constant 0 : i32
      %dma_wait3A_1090 = tpu.memref_slice %arg7[%dma_wait3A_1076, %dma_wait3A_1088, %dma_wait3A_1089] : memref<5x128x128xf32, #tpu.memory_space<vmem>> -> memref<1x128x128xf32, #tpu.memory_space<vmem>>
      %dma_wait3A_1091 = tpu.memref_squeeze %dma_wait3A_1090 : memref<1x128x128xf32, #tpu.memory_space<vmem>> -> memref<128x128xf32, #tpu.memory_space<vmem>>
      tpu.wait_dma2 semaphore(%dma_wait3A_1085 : memref<!tpu.dma_semaphore, #tpu.memory_space<semaphore_mem>>) src(%dma_wait3A_1091 : memref<128x128xf32, #tpu.memory_space<vmem>>) dst(%dma_wait3A_1087 : memref<128x128xf32, #tpu.memory_space<hbm>>)
      %add3A_1092 = arith.addi %mul3A_2, %add3A_1072 : i32
      %mul3A_1093 = arith.constant 128 : i32
      %mul3A_1094 = arith.muli %add3A_1092, %mul3A_1093 : i32
      %dma_wait3A_1095 = arith.constant 4 : i32
      %dma_wait3A_1096 = arith.constant 4 : i32
      %dma_wait3A_1097 = arith.constant 0 : i32
      %dma_wait3A_1098 = arith.constant 0 : i32
      %dma_wait3A_1099 = tpu.memref_slice %arg7[%dma_wait3A_1095, %dma_wait3A_1097, %dma_wait3A_1098] : memref<5x128x128xf32, #tpu.memory_space<vmem>> -> memref<1x128x128xf32, #tpu.memory_space<vmem>>
      %dma_wait3A_1100 = tpu.memref_squeeze %dma_wait3A_1099 : memref<1x128x128xf32, #tpu.memory_space<vmem>> -> memref<128x128xf32, #tpu.memory_space<vmem>>
      %dma_wait3A_1101 = arith.constant 0 : i32
      %dma_wait3A_1102 = tpu.memref_slice %arg5[%mul3A_1094, %dma_wait3A_1101] : memref<819200x128xf32, #tpu.memory_space<hbm>> -> memref<128x128xf32, #tpu.memory_space<hbm>>
      %dma_wait3A_1103 = tpu.memref_slice %arg10[%dma_wait3A_1096] : memref<5x!tpu.dma_semaphore, #tpu.memory_space<semaphore_mem>> -> memref<1x!tpu.dma_semaphore, #tpu.memory_space<semaphore_mem>>
      %dma_wait3A_1104 = tpu.memref_squeeze %dma_wait3A_1103 : memref<1x!tpu.dma_semaphore, #tpu.memory_space<semaphore_mem>> -> memref<!tpu.dma_semaphore, #tpu.memory_space<semaphore_mem>>
      %dma_wait3A_1105 = arith.constant 0 : i32
      %dma_wait3A_1106 = tpu.memref_slice %arg5[%mul3A_1094, %dma_wait3A_1105] : memref<819200x128xf32, #tpu.memory_space<hbm>> -> memref<128x128xf32, #tpu.memory_space<hbm>>
      %dma_wait3A_1107 = arith.constant 0 : i32
      %dma_wait3A_1108 = arith.constant 0 : i32
      %dma_wait3A_1109 = tpu.memref_slice %arg7[%dma_wait3A_1095, %dma_wait3A_1107, %dma_wait3A_1108] : memref<5x128x128xf32, #tpu.memory_space<vmem>> -> memref<1x128x128xf32, #tpu.memory_space<vmem>>
      %dma_wait3A_1110 = tpu.memref_squeeze %dma_wait3A_1109 : memref<1x128x128xf32, #tpu.memory_space<vmem>> -> memref<128x128xf32, #tpu.memory_space<vmem>>
      tpu.wait_dma2 semaphore(%dma_wait3A_1104 : memref<!tpu.dma_semaphore, #tpu.memory_space<semaphore_mem>>) src(%dma_wait3A_1110 : memref<128x128xf32, #tpu.memory_space<vmem>>) dst(%dma_wait3A_1106 : memref<128x128xf32, #tpu.memory_space<hbm>>)
      %add3A_1111 = arith.constant 5 : i32
      %add3A_1112 = arith.addi %mul3A_558, %add3A_1111 : i32
      %add3A_1113 = arith.constant 4 : i32
      %add3A_1114 = arith.addi %add3A_1112, %add3A_1113 : i32
      %dma_start3A_1115 = arith.constant 4 : i32
      %dma_start3A_1116 = arith.constant 4 : i32
      %dma_start3A_1117 = arith.constant 0 : i32
      %dma_start3A_1118 = arith.constant 0 : i32
      %dma_start3A_1119 = tpu.memref_slice %arg7[%dma_start3A_1115, %dma_start3A_1117, %dma_start3A_1118] : memref<5x128x128xf32, #tpu.memory_space<vmem>> -> memref<1x128x128xf32, #tpu.memory_space<vmem>>
      %dma_start3A_1120 = tpu.memref_squeeze %dma_start3A_1119 : memref<1x128x128xf32, #tpu.memory_space<vmem>> -> memref<128x128xf32, #tpu.memory_space<vmem>>
      %dma_start3A_1121 = arith.constant 0 : i32
      %dma_start3A_1122 = tpu.memref_slice %arg6[%add3A_1114, %dma_start3A_1121] : memref<200x128xi32, #tpu.memory_space<vmem>> -> memref<1x128xi32, #tpu.memory_space<vmem>>
      %dma_start3A_1123 = tpu.memref_squeeze %dma_start3A_1122 : memref<1x128xi32, #tpu.memory_space<vmem>> -> memref<128xi32, #tpu.memory_space<vmem>>
      %dma_start3A_1124 = arith.constant 0 : i32
      %dma_start3A_1125 = arith.constant 0 : i32
      %dma_start3A_1126 = tpu.memref_slice %arg3[%dma_start3A_1124, %dma_start3A_1125] : memref<100000x128xf32, #tpu.memory_space<hbm>> -> memref<100000x128xf32, #tpu.memory_space<hbm>>
      %dma_start3A_1127 = tpu.memref_slice %arg8[%dma_start3A_1116] : memref<5x!tpu.dma_semaphore, #tpu.memory_space<semaphore_mem>> -> memref<1x!tpu.dma_semaphore, #tpu.memory_space<semaphore_mem>>
      %dma_start3A_1128 = tpu.memref_squeeze %dma_start3A_1127 : memref<1x!tpu.dma_semaphore, #tpu.memory_space<semaphore_mem>> -> memref<!tpu.dma_semaphore, #tpu.memory_space<semaphore_mem>>
      tpu.enqueue_indirect_dma source(%dma_start3A_1126 : memref<100000x128xf32, #tpu.memory_space<hbm>>) target(%dma_start3A_1120 : memref<128x128xf32, #tpu.memory_space<vmem>>) offsets(%dma_start3A_1123 : memref<128xi32, #tpu.memory_space<vmem>>) semaphore(%dma_start3A_1128 : memref<!tpu.dma_semaphore, #tpu.memory_space<semaphore_mem>>)
    }
    %scan3A_81 = arith.constant 39 : i32
    %dma_wait3A = arith.constant 195 : i32
    %dma_wait3A_82 = arith.constant 0 : i32
    %dma_wait3A_83 = arith.constant 0 : i32
    %dma_wait3A_84 = arith.constant 0 : i32
    %dma_wait3A_85 = arith.constant 0 : i32
    %dma_wait3A_86 = tpu.memref_slice %arg7[%dma_wait3A_82, %dma_wait3A_84, %dma_wait3A_85] : memref<5x128x128xf32, #tpu.memory_space<vmem>> -> memref<1x128x128xf32, #tpu.memory_space<vmem>>
    %dma_wait3A_87 = tpu.memref_squeeze %dma_wait3A_86 : memref<1x128x128xf32, #tpu.memory_space<vmem>> -> memref<128x128xf32, #tpu.memory_space<vmem>>
    %dma_wait3A_88 = arith.constant 0 : i32
    %dma_wait3A_89 = tpu.memref_slice %arg6[%dma_wait3A, %dma_wait3A_88] : memref<200x128xi32, #tpu.memory_space<vmem>> -> memref<1x128xi32, #tpu.memory_space<vmem>>
    %dma_wait3A_90 = tpu.memref_squeeze %dma_wait3A_89 : memref<1x128xi32, #tpu.memory_space<vmem>> -> memref<128xi32, #tpu.memory_space<vmem>>
    %dma_wait3A_91 = arith.constant 0 : i32
    %dma_wait3A_92 = arith.constant 0 : i32
    %dma_wait3A_93 = tpu.memref_slice %arg3[%dma_wait3A_91, %dma_wait3A_92] : memref<100000x128xf32, #tpu.memory_space<hbm>> -> memref<100000x128xf32, #tpu.memory_space<hbm>>
    %dma_wait3A_94 = tpu.memref_slice %arg8[%dma_wait3A_83] : memref<5x!tpu.dma_semaphore, #tpu.memory_space<semaphore_mem>> -> memref<1x!tpu.dma_semaphore, #tpu.memory_space<semaphore_mem>>
    %dma_wait3A_95 = tpu.memref_squeeze %dma_wait3A_94 : memref<1x!tpu.dma_semaphore, #tpu.memory_space<semaphore_mem>> -> memref<!tpu.dma_semaphore, #tpu.memory_space<semaphore_mem>>
    tpu.wait_indirect_dma semaphore(%dma_wait3A_95 : memref<!tpu.dma_semaphore, #tpu.memory_space<semaphore_mem>>) src(%dma_wait3A_93 : memref<100000x128xf32, #tpu.memory_space<hbm>>) dst(%dma_wait3A_87 : memref<128x128xf32, #tpu.memory_space<vmem>>)
    %add3A_96 = arith.constant 195 : i32
    %add3A_97 = arith.addi %mul3A_2, %add3A_96 : i32
    %mul3A_98 = arith.constant 128 : i32
    %mul3A_99 = arith.muli %add3A_97, %mul3A_98 : i32
    %dma_start3A_100 = arith.constant 0 : i32
    %dma_start3A_101 = arith.constant 0 : i32
    %dma_start3A_102 = arith.constant 0 : i32
    %dma_start3A_103 = arith.constant 0 : i32
    %dma_start3A_104 = tpu.memref_slice %arg7[%dma_start3A_100, %dma_start3A_102, %dma_start3A_103] : memref<5x128x128xf32, #tpu.memory_space<vmem>> -> memref<1x128x128xf32, #tpu.memory_space<vmem>>
    %dma_start3A_105 = tpu.memref_squeeze %dma_start3A_104 : memref<1x128x128xf32, #tpu.memory_space<vmem>> -> memref<128x128xf32, #tpu.memory_space<vmem>>
    %dma_start3A_106 = arith.constant 0 : i32
    %dma_start3A_107 = tpu.memref_slice %arg4[%mul3A_99, %dma_start3A_106] : memref<819200x128xf32, #tpu.memory_space<hbm>> -> memref<128x128xf32, #tpu.memory_space<hbm>>
    %dma_start3A_108 = tpu.memref_slice %arg9[%dma_start3A_101] : memref<5x!tpu.dma_semaphore, #tpu.memory_space<semaphore_mem>> -> memref<1x!tpu.dma_semaphore, #tpu.memory_space<semaphore_mem>>
    %dma_start3A_109 = tpu.memref_squeeze %dma_start3A_108 : memref<1x!tpu.dma_semaphore, #tpu.memory_space<semaphore_mem>> -> memref<!tpu.dma_semaphore, #tpu.memory_space<semaphore_mem>>
    %dma_start3A_110 = arith.constant 0 : i32
    %dma_start3A_111 = tpu.memref_slice %arg4[%mul3A_99, %dma_start3A_110] : memref<819200x128xf32, #tpu.memory_space<hbm>> -> memref<128x128xf32, #tpu.memory_space<hbm>>
    %dma_start3A_112 = arith.constant 0 : i32
    %dma_start3A_113 = arith.constant 0 : i32
    %dma_start3A_114 = tpu.memref_slice %arg7[%dma_start3A_100, %dma_start3A_112, %dma_start3A_113] : memref<5x128x128xf32, #tpu.memory_space<vmem>> -> memref<1x128x128xf32, #tpu.memory_space<vmem>>
    %dma_start3A_115 = tpu.memref_squeeze %dma_start3A_114 : memref<1x128x128xf32, #tpu.memory_space<vmem>> -> memref<128x128xf32, #tpu.memory_space<vmem>>
    tpu.enqueue_dma source(%dma_start3A_115 : memref<128x128xf32, #tpu.memory_space<vmem>>) target(%dma_start3A_111 : memref<128x128xf32, #tpu.memory_space<hbm>>) target_semaphore(%dma_start3A_109 : memref<!tpu.dma_semaphore, #tpu.memory_space<semaphore_mem>>)
    %add3A_116 = arith.constant 195 : i32
    %add3A_117 = arith.addi %mul3A_2, %add3A_116 : i32
    %mul3A_118 = arith.constant 128 : i32
    %mul3A_119 = arith.muli %add3A_117, %mul3A_118 : i32
    %dma_start3A_120 = arith.constant 0 : i32
    %dma_start3A_121 = arith.constant 0 : i32
    %dma_start3A_122 = arith.constant 0 : i32
    %dma_start3A_123 = arith.constant 0 : i32
    %dma_start3A_124 = tpu.memref_slice %arg7[%dma_start3A_120, %dma_start3A_122, %dma_start3A_123] : memref<5x128x128xf32, #tpu.memory_space<vmem>> -> memref<1x128x128xf32, #tpu.memory_space<vmem>>
    %dma_start3A_125 = tpu.memref_squeeze %dma_start3A_124 : memref<1x128x128xf32, #tpu.memory_space<vmem>> -> memref<128x128xf32, #tpu.memory_space<vmem>>
    %dma_start3A_126 = arith.constant 0 : i32
    %dma_start3A_127 = tpu.memref_slice %arg5[%mul3A_119, %dma_start3A_126] : memref<819200x128xf32, #tpu.memory_space<hbm>> -> memref<128x128xf32, #tpu.memory_space<hbm>>
    %dma_start3A_128 = tpu.memref_slice %arg10[%dma_start3A_121] : memref<5x!tpu.dma_semaphore, #tpu.memory_space<semaphore_mem>> -> memref<1x!tpu.dma_semaphore, #tpu.memory_space<semaphore_mem>>
    %dma_start3A_129 = tpu.memref_squeeze %dma_start3A_128 : memref<1x!tpu.dma_semaphore, #tpu.memory_space<semaphore_mem>> -> memref<!tpu.dma_semaphore, #tpu.memory_space<semaphore_mem>>
    %dma_start3A_130 = arith.constant 0 : i32
    %dma_start3A_131 = tpu.memref_slice %arg5[%mul3A_119, %dma_start3A_130] : memref<819200x128xf32, #tpu.memory_space<hbm>> -> memref<128x128xf32, #tpu.memory_space<hbm>>
    %dma_start3A_132 = arith.constant 0 : i32
    %dma_start3A_133 = arith.constant 0 : i32
    %dma_start3A_134 = tpu.memref_slice %arg7[%dma_start3A_120, %dma_start3A_132, %dma_start3A_133] : memref<5x128x128xf32, #tpu.memory_space<vmem>> -> memref<1x128x128xf32, #tpu.memory_space<vmem>>
    %dma_start3A_135 = tpu.memref_squeeze %dma_start3A_134 : memref<1x128x128xf32, #tpu.memory_space<vmem>> -> memref<128x128xf32, #tpu.memory_space<vmem>>
    tpu.enqueue_dma source(%dma_start3A_135 : memref<128x128xf32, #tpu.memory_space<vmem>>) target(%dma_start3A_131 : memref<128x128xf32, #tpu.memory_space<hbm>>) target_semaphore(%dma_start3A_129 : memref<!tpu.dma_semaphore, #tpu.memory_space<semaphore_mem>>)
    %dma_wait3A_136 = arith.constant 196 : i32
    %dma_wait3A_137 = arith.constant 1 : i32
    %dma_wait3A_138 = arith.constant 1 : i32
    %dma_wait3A_139 = arith.constant 0 : i32
    %dma_wait3A_140 = arith.constant 0 : i32
    %dma_wait3A_141 = tpu.memref_slice %arg7[%dma_wait3A_137, %dma_wait3A_139, %dma_wait3A_140] : memref<5x128x128xf32, #tpu.memory_space<vmem>> -> memref<1x128x128xf32, #tpu.memory_space<vmem>>
    %dma_wait3A_142 = tpu.memref_squeeze %dma_wait3A_141 : memref<1x128x128xf32, #tpu.memory_space<vmem>> -> memref<128x128xf32, #tpu.memory_space<vmem>>
    %dma_wait3A_143 = arith.constant 0 : i32
    %dma_wait3A_144 = tpu.memref_slice %arg6[%dma_wait3A_136, %dma_wait3A_143] : memref<200x128xi32, #tpu.memory_space<vmem>> -> memref<1x128xi32, #tpu.memory_space<vmem>>
    %dma_wait3A_145 = tpu.memref_squeeze %dma_wait3A_144 : memref<1x128xi32, #tpu.memory_space<vmem>> -> memref<128xi32, #tpu.memory_space<vmem>>
    %dma_wait3A_146 = arith.constant 0 : i32
    %dma_wait3A_147 = arith.constant 0 : i32
    %dma_wait3A_148 = tpu.memref_slice %arg3[%dma_wait3A_146, %dma_wait3A_147] : memref<100000x128xf32, #tpu.memory_space<hbm>> -> memref<100000x128xf32, #tpu.memory_space<hbm>>
    %dma_wait3A_149 = tpu.memref_slice %arg8[%dma_wait3A_138] : memref<5x!tpu.dma_semaphore, #tpu.memory_space<semaphore_mem>> -> memref<1x!tpu.dma_semaphore, #tpu.memory_space<semaphore_mem>>
    %dma_wait3A_150 = tpu.memref_squeeze %dma_wait3A_149 : memref<1x!tpu.dma_semaphore, #tpu.memory_space<semaphore_mem>> -> memref<!tpu.dma_semaphore, #tpu.memory_space<semaphore_mem>>
    tpu.wait_indirect_dma semaphore(%dma_wait3A_150 : memref<!tpu.dma_semaphore, #tpu.memory_space<semaphore_mem>>) src(%dma_wait3A_148 : memref<100000x128xf32, #tpu.memory_space<hbm>>) dst(%dma_wait3A_142 : memref<128x128xf32, #tpu.memory_space<vmem>>)
    %add3A_151 = arith.constant 196 : i32
    %add3A_152 = arith.addi %mul3A_2, %add3A_151 : i32
    %mul3A_153 = arith.constant 128 : i32
    %mul3A_154 = arith.muli %add3A_152, %mul3A_153 : i32
    %dma_start3A_155 = arith.constant 1 : i32
    %dma_start3A_156 = arith.constant 1 : i32
    %dma_start3A_157 = arith.constant 0 : i32
    %dma_start3A_158 = arith.constant 0 : i32
    %dma_start3A_159 = tpu.memref_slice %arg7[%dma_start3A_155, %dma_start3A_157, %dma_start3A_158] : memref<5x128x128xf32, #tpu.memory_space<vmem>> -> memref<1x128x128xf32, #tpu.memory_space<vmem>>
    %dma_start3A_160 = tpu.memref_squeeze %dma_start3A_159 : memref<1x128x128xf32, #tpu.memory_space<vmem>> -> memref<128x128xf32, #tpu.memory_space<vmem>>
    %dma_start3A_161 = arith.constant 0 : i32
    %dma_start3A_162 = tpu.memref_slice %arg4[%mul3A_154, %dma_start3A_161] : memref<819200x128xf32, #tpu.memory_space<hbm>> -> memref<128x128xf32, #tpu.memory_space<hbm>>
    %dma_start3A_163 = tpu.memref_slice %arg9[%dma_start3A_156] : memref<5x!tpu.dma_semaphore, #tpu.memory_space<semaphore_mem>> -> memref<1x!tpu.dma_semaphore, #tpu.memory_space<semaphore_mem>>
    %dma_start3A_164 = tpu.memref_squeeze %dma_start3A_163 : memref<1x!tpu.dma_semaphore, #tpu.memory_space<semaphore_mem>> -> memref<!tpu.dma_semaphore, #tpu.memory_space<semaphore_mem>>
    %dma_start3A_165 = arith.constant 0 : i32
    %dma_start3A_166 = tpu.memref_slice %arg4[%mul3A_154, %dma_start3A_165] : memref<819200x128xf32, #tpu.memory_space<hbm>> -> memref<128x128xf32, #tpu.memory_space<hbm>>
    %dma_start3A_167 = arith.constant 0 : i32
    %dma_start3A_168 = arith.constant 0 : i32
    %dma_start3A_169 = tpu.memref_slice %arg7[%dma_start3A_155, %dma_start3A_167, %dma_start3A_168] : memref<5x128x128xf32, #tpu.memory_space<vmem>> -> memref<1x128x128xf32, #tpu.memory_space<vmem>>
    %dma_start3A_170 = tpu.memref_squeeze %dma_start3A_169 : memref<1x128x128xf32, #tpu.memory_space<vmem>> -> memref<128x128xf32, #tpu.memory_space<vmem>>
    tpu.enqueue_dma source(%dma_start3A_170 : memref<128x128xf32, #tpu.memory_space<vmem>>) target(%dma_start3A_166 : memref<128x128xf32, #tpu.memory_space<hbm>>) target_semaphore(%dma_start3A_164 : memref<!tpu.dma_semaphore, #tpu.memory_space<semaphore_mem>>)
    %add3A_171 = arith.constant 196 : i32
    %add3A_172 = arith.addi %mul3A_2, %add3A_171 : i32
    %mul3A_173 = arith.constant 128 : i32
    %mul3A_174 = arith.muli %add3A_172, %mul3A_173 : i32
    %dma_start3A_175 = arith.constant 1 : i32
    %dma_start3A_176 = arith.constant 1 : i32
    %dma_start3A_177 = arith.constant 0 : i32
    %dma_start3A_178 = arith.constant 0 : i32
    %dma_start3A_179 = tpu.memref_slice %arg7[%dma_start3A_175, %dma_start3A_177, %dma_start3A_178] : memref<5x128x128xf32, #tpu.memory_space<vmem>> -> memref<1x128x128xf32, #tpu.memory_space<vmem>>
    %dma_start3A_180 = tpu.memref_squeeze %dma_start3A_179 : memref<1x128x128xf32, #tpu.memory_space<vmem>> -> memref<128x128xf32, #tpu.memory_space<vmem>>
    %dma_start3A_181 = arith.constant 0 : i32
    %dma_start3A_182 = tpu.memref_slice %arg5[%mul3A_174, %dma_start3A_181] : memref<819200x128xf32, #tpu.memory_space<hbm>> -> memref<128x128xf32, #tpu.memory_space<hbm>>
    %dma_start3A_183 = tpu.memref_slice %arg10[%dma_start3A_176] : memref<5x!tpu.dma_semaphore, #tpu.memory_space<semaphore_mem>> -> memref<1x!tpu.dma_semaphore, #tpu.memory_space<semaphore_mem>>
    %dma_start3A_184 = tpu.memref_squeeze %dma_start3A_183 : memref<1x!tpu.dma_semaphore, #tpu.memory_space<semaphore_mem>> -> memref<!tpu.dma_semaphore, #tpu.memory_space<semaphore_mem>>
    %dma_start3A_185 = arith.constant 0 : i32
    %dma_start3A_186 = tpu.memref_slice %arg5[%mul3A_174, %dma_start3A_185] : memref<819200x128xf32, #tpu.memory_space<hbm>> -> memref<128x128xf32, #tpu.memory_space<hbm>>
    %dma_start3A_187 = arith.constant 0 : i32
    %dma_start3A_188 = arith.constant 0 : i32
    %dma_start3A_189 = tpu.memref_slice %arg7[%dma_start3A_175, %dma_start3A_187, %dma_start3A_188] : memref<5x128x128xf32, #tpu.memory_space<vmem>> -> memref<1x128x128xf32, #tpu.memory_space<vmem>>
    %dma_start3A_190 = tpu.memref_squeeze %dma_start3A_189 : memref<1x128x128xf32, #tpu.memory_space<vmem>> -> memref<128x128xf32, #tpu.memory_space<vmem>>
    tpu.enqueue_dma source(%dma_start3A_190 : memref<128x128xf32, #tpu.memory_space<vmem>>) target(%dma_start3A_186 : memref<128x128xf32, #tpu.memory_space<hbm>>) target_semaphore(%dma_start3A_184 : memref<!tpu.dma_semaphore, #tpu.memory_space<semaphore_mem>>)
    %dma_wait3A_191 = arith.constant 197 : i32
    %dma_wait3A_192 = arith.constant 2 : i32
    %dma_wait3A_193 = arith.constant 2 : i32
    %dma_wait3A_194 = arith.constant 0 : i32
    %dma_wait3A_195 = arith.constant 0 : i32
    %dma_wait3A_196 = tpu.memref_slice %arg7[%dma_wait3A_192, %dma_wait3A_194, %dma_wait3A_195] : memref<5x128x128xf32, #tpu.memory_space<vmem>> -> memref<1x128x128xf32, #tpu.memory_space<vmem>>
    %dma_wait3A_197 = tpu.memref_squeeze %dma_wait3A_196 : memref<1x128x128xf32, #tpu.memory_space<vmem>> -> memref<128x128xf32, #tpu.memory_space<vmem>>
    %dma_wait3A_198 = arith.constant 0 : i32
    %dma_wait3A_199 = tpu.memref_slice %arg6[%dma_wait3A_191, %dma_wait3A_198] : memref<200x128xi32, #tpu.memory_space<vmem>> -> memref<1x128xi32, #tpu.memory_space<vmem>>
    %dma_wait3A_200 = tpu.memref_squeeze %dma_wait3A_199 : memref<1x128xi32, #tpu.memory_space<vmem>> -> memref<128xi32, #tpu.memory_space<vmem>>
    %dma_wait3A_201 = arith.constant 0 : i32
    %dma_wait3A_202 = arith.constant 0 : i32
    %dma_wait3A_203 = tpu.memref_slice %arg3[%dma_wait3A_201, %dma_wait3A_202] : memref<100000x128xf32, #tpu.memory_space<hbm>> -> memref<100000x128xf32, #tpu.memory_space<hbm>>
    %dma_wait3A_204 = tpu.memref_slice %arg8[%dma_wait3A_193] : memref<5x!tpu.dma_semaphore, #tpu.memory_space<semaphore_mem>> -> memref<1x!tpu.dma_semaphore, #tpu.memory_space<semaphore_mem>>
    %dma_wait3A_205 = tpu.memref_squeeze %dma_wait3A_204 : memref<1x!tpu.dma_semaphore, #tpu.memory_space<semaphore_mem>> -> memref<!tpu.dma_semaphore, #tpu.memory_space<semaphore_mem>>
    tpu.wait_indirect_dma semaphore(%dma_wait3A_205 : memref<!tpu.dma_semaphore, #tpu.memory_space<semaphore_mem>>) src(%dma_wait3A_203 : memref<100000x128xf32, #tpu.memory_space<hbm>>) dst(%dma_wait3A_197 : memref<128x128xf32, #tpu.memory_space<vmem>>)
    %add3A_206 = arith.constant 197 : i32
    %add3A_207 = arith.addi %mul3A_2, %add3A_206 : i32
    %mul3A_208 = arith.constant 128 : i32
    %mul3A_209 = arith.muli %add3A_207, %mul3A_208 : i32
    %dma_start3A_210 = arith.constant 2 : i32
    %dma_start3A_211 = arith.constant 2 : i32
    %dma_start3A_212 = arith.constant 0 : i32
    %dma_start3A_213 = arith.constant 0 : i32
    %dma_start3A_214 = tpu.memref_slice %arg7[%dma_start3A_210, %dma_start3A_212, %dma_start3A_213] : memref<5x128x128xf32, #tpu.memory_space<vmem>> -> memref<1x128x128xf32, #tpu.memory_space<vmem>>
    %dma_start3A_215 = tpu.memref_squeeze %dma_start3A_214 : memref<1x128x128xf32, #tpu.memory_space<vmem>> -> memref<128x128xf32, #tpu.memory_space<vmem>>
    %dma_start3A_216 = arith.constant 0 : i32
    %dma_start3A_217 = tpu.memref_slice %arg4[%mul3A_209, %dma_start3A_216] : memref<819200x128xf32, #tpu.memory_space<hbm>> -> memref<128x128xf32, #tpu.memory_space<hbm>>
    %dma_start3A_218 = tpu.memref_slice %arg9[%dma_start3A_211] : memref<5x!tpu.dma_semaphore, #tpu.memory_space<semaphore_mem>> -> memref<1x!tpu.dma_semaphore, #tpu.memory_space<semaphore_mem>>
    %dma_start3A_219 = tpu.memref_squeeze %dma_start3A_218 : memref<1x!tpu.dma_semaphore, #tpu.memory_space<semaphore_mem>> -> memref<!tpu.dma_semaphore, #tpu.memory_space<semaphore_mem>>
    %dma_start3A_220 = arith.constant 0 : i32
    %dma_start3A_221 = tpu.memref_slice %arg4[%mul3A_209, %dma_start3A_220] : memref<819200x128xf32, #tpu.memory_space<hbm>> -> memref<128x128xf32, #tpu.memory_space<hbm>>
    %dma_start3A_222 = arith.constant 0 : i32
    %dma_start3A_223 = arith.constant 0 : i32
    %dma_start3A_224 = tpu.memref_slice %arg7[%dma_start3A_210, %dma_start3A_222, %dma_start3A_223] : memref<5x128x128xf32, #tpu.memory_space<vmem>> -> memref<1x128x128xf32, #tpu.memory_space<vmem>>
    %dma_start3A_225 = tpu.memref_squeeze %dma_start3A_224 : memref<1x128x128xf32, #tpu.memory_space<vmem>> -> memref<128x128xf32, #tpu.memory_space<vmem>>
    tpu.enqueue_dma source(%dma_start3A_225 : memref<128x128xf32, #tpu.memory_space<vmem>>) target(%dma_start3A_221 : memref<128x128xf32, #tpu.memory_space<hbm>>) target_semaphore(%dma_start3A_219 : memref<!tpu.dma_semaphore, #tpu.memory_space<semaphore_mem>>)
    %add3A_226 = arith.constant 197 : i32
    %add3A_227 = arith.addi %mul3A_2, %add3A_226 : i32
    %mul3A_228 = arith.constant 128 : i32
    %mul3A_229 = arith.muli %add3A_227, %mul3A_228 : i32
    %dma_start3A_230 = arith.constant 2 : i32
    %dma_start3A_231 = arith.constant 2 : i32
    %dma_start3A_232 = arith.constant 0 : i32
    %dma_start3A_233 = arith.constant 0 : i32
    %dma_start3A_234 = tpu.memref_slice %arg7[%dma_start3A_230, %dma_start3A_232, %dma_start3A_233] : memref<5x128x128xf32, #tpu.memory_space<vmem>> -> memref<1x128x128xf32, #tpu.memory_space<vmem>>
    %dma_start3A_235 = tpu.memref_squeeze %dma_start3A_234 : memref<1x128x128xf32, #tpu.memory_space<vmem>> -> memref<128x128xf32, #tpu.memory_space<vmem>>
    %dma_start3A_236 = arith.constant 0 : i32
    %dma_start3A_237 = tpu.memref_slice %arg5[%mul3A_229, %dma_start3A_236] : memref<819200x128xf32, #tpu.memory_space<hbm>> -> memref<128x128xf32, #tpu.memory_space<hbm>>
    %dma_start3A_238 = tpu.memref_slice %arg10[%dma_start3A_231] : memref<5x!tpu.dma_semaphore, #tpu.memory_space<semaphore_mem>> -> memref<1x!tpu.dma_semaphore, #tpu.memory_space<semaphore_mem>>
    %dma_start3A_239 = tpu.memref_squeeze %dma_start3A_238 : memref<1x!tpu.dma_semaphore, #tpu.memory_space<semaphore_mem>> -> memref<!tpu.dma_semaphore, #tpu.memory_space<semaphore_mem>>
    %dma_start3A_240 = arith.constant 0 : i32
    %dma_start3A_241 = tpu.memref_slice %arg5[%mul3A_229, %dma_start3A_240] : memref<819200x128xf32, #tpu.memory_space<hbm>> -> memref<128x128xf32, #tpu.memory_space<hbm>>
    %dma_start3A_242 = arith.constant 0 : i32
    %dma_start3A_243 = arith.constant 0 : i32
    %dma_start3A_244 = tpu.memref_slice %arg7[%dma_start3A_230, %dma_start3A_242, %dma_start3A_243] : memref<5x128x128xf32, #tpu.memory_space<vmem>> -> memref<1x128x128xf32, #tpu.memory_space<vmem>>
    %dma_start3A_245 = tpu.memref_squeeze %dma_start3A_244 : memref<1x128x128xf32, #tpu.memory_space<vmem>> -> memref<128x128xf32, #tpu.memory_space<vmem>>
    tpu.enqueue_dma source(%dma_start3A_245 : memref<128x128xf32, #tpu.memory_space<vmem>>) target(%dma_start3A_241 : memref<128x128xf32, #tpu.memory_space<hbm>>) target_semaphore(%dma_start3A_239 : memref<!tpu.dma_semaphore, #tpu.memory_space<semaphore_mem>>)
    %dma_wait3A_246 = arith.constant 198 : i32
    %dma_wait3A_247 = arith.constant 3 : i32
    %dma_wait3A_248 = arith.constant 3 : i32
    %dma_wait3A_249 = arith.constant 0 : i32
    %dma_wait3A_250 = arith.constant 0 : i32
    %dma_wait3A_251 = tpu.memref_slice %arg7[%dma_wait3A_247, %dma_wait3A_249, %dma_wait3A_250] : memref<5x128x128xf32, #tpu.memory_space<vmem>> -> memref<1x128x128xf32, #tpu.memory_space<vmem>>
    %dma_wait3A_252 = tpu.memref_squeeze %dma_wait3A_251 : memref<1x128x128xf32, #tpu.memory_space<vmem>> -> memref<128x128xf32, #tpu.memory_space<vmem>>
    %dma_wait3A_253 = arith.constant 0 : i32
    %dma_wait3A_254 = tpu.memref_slice %arg6[%dma_wait3A_246, %dma_wait3A_253] : memref<200x128xi32, #tpu.memory_space<vmem>> -> memref<1x128xi32, #tpu.memory_space<vmem>>
    %dma_wait3A_255 = tpu.memref_squeeze %dma_wait3A_254 : memref<1x128xi32, #tpu.memory_space<vmem>> -> memref<128xi32, #tpu.memory_space<vmem>>
    %dma_wait3A_256 = arith.constant 0 : i32
    %dma_wait3A_257 = arith.constant 0 : i32
    %dma_wait3A_258 = tpu.memref_slice %arg3[%dma_wait3A_256, %dma_wait3A_257] : memref<100000x128xf32, #tpu.memory_space<hbm>> -> memref<100000x128xf32, #tpu.memory_space<hbm>>
    %dma_wait3A_259 = tpu.memref_slice %arg8[%dma_wait3A_248] : memref<5x!tpu.dma_semaphore, #tpu.memory_space<semaphore_mem>> -> memref<1x!tpu.dma_semaphore, #tpu.memory_space<semaphore_mem>>
    %dma_wait3A_260 = tpu.memref_squeeze %dma_wait3A_259 : memref<1x!tpu.dma_semaphore, #tpu.memory_space<semaphore_mem>> -> memref<!tpu.dma_semaphore, #tpu.memory_space<semaphore_mem>>
    tpu.wait_indirect_dma semaphore(%dma_wait3A_260 : memref<!tpu.dma_semaphore, #tpu.memory_space<semaphore_mem>>) src(%dma_wait3A_258 : memref<100000x128xf32, #tpu.memory_space<hbm>>) dst(%dma_wait3A_252 : memref<128x128xf32, #tpu.memory_space<vmem>>)
    %add3A_261 = arith.constant 198 : i32
    %add3A_262 = arith.addi %mul3A_2, %add3A_261 : i32
    %mul3A_263 = arith.constant 128 : i32
    %mul3A_264 = arith.muli %add3A_262, %mul3A_263 : i32
    %dma_start3A_265 = arith.constant 3 : i32
    %dma_start3A_266 = arith.constant 3 : i32
    %dma_start3A_267 = arith.constant 0 : i32
    %dma_start3A_268 = arith.constant 0 : i32
    %dma_start3A_269 = tpu.memref_slice %arg7[%dma_start3A_265, %dma_start3A_267, %dma_start3A_268] : memref<5x128x128xf32, #tpu.memory_space<vmem>> -> memref<1x128x128xf32, #tpu.memory_space<vmem>>
    %dma_start3A_270 = tpu.memref_squeeze %dma_start3A_269 : memref<1x128x128xf32, #tpu.memory_space<vmem>> -> memref<128x128xf32, #tpu.memory_space<vmem>>
    %dma_start3A_271 = arith.constant 0 : i32
    %dma_start3A_272 = tpu.memref_slice %arg4[%mul3A_264, %dma_start3A_271] : memref<819200x128xf32, #tpu.memory_space<hbm>> -> memref<128x128xf32, #tpu.memory_space<hbm>>
    %dma_start3A_273 = tpu.memref_slice %arg9[%dma_start3A_266] : memref<5x!tpu.dma_semaphore, #tpu.memory_space<semaphore_mem>> -> memref<1x!tpu.dma_semaphore, #tpu.memory_space<semaphore_mem>>
    %dma_start3A_274 = tpu.memref_squeeze %dma_start3A_273 : memref<1x!tpu.dma_semaphore, #tpu.memory_space<semaphore_mem>> -> memref<!tpu.dma_semaphore, #tpu.memory_space<semaphore_mem>>
    %dma_start3A_275 = arith.constant 0 : i32
    %dma_start3A_276 = tpu.memref_slice %arg4[%mul3A_264, %dma_start3A_275] : memref<819200x128xf32, #tpu.memory_space<hbm>> -> memref<128x128xf32, #tpu.memory_space<hbm>>
    %dma_start3A_277 = arith.constant 0 : i32
    %dma_start3A_278 = arith.constant 0 : i32
    %dma_start3A_279 = tpu.memref_slice %arg7[%dma_start3A_265, %dma_start3A_277, %dma_start3A_278] : memref<5x128x128xf32, #tpu.memory_space<vmem>> -> memref<1x128x128xf32, #tpu.memory_space<vmem>>
    %dma_start3A_280 = tpu.memref_squeeze %dma_start3A_279 : memref<1x128x128xf32, #tpu.memory_space<vmem>> -> memref<128x128xf32, #tpu.memory_space<vmem>>
    tpu.enqueue_dma source(%dma_start3A_280 : memref<128x128xf32, #tpu.memory_space<vmem>>) target(%dma_start3A_276 : memref<128x128xf32, #tpu.memory_space<hbm>>) target_semaphore(%dma_start3A_274 : memref<!tpu.dma_semaphore, #tpu.memory_space<semaphore_mem>>)
    %add3A_281 = arith.constant 198 : i32
    %add3A_282 = arith.addi %mul3A_2, %add3A_281 : i32
    %mul3A_283 = arith.constant 128 : i32
    %mul3A_284 = arith.muli %add3A_282, %mul3A_283 : i32
    %dma_start3A_285 = arith.constant 3 : i32
    %dma_start3A_286 = arith.constant 3 : i32
    %dma_start3A_287 = arith.constant 0 : i32
    %dma_start3A_288 = arith.constant 0 : i32
    %dma_start3A_289 = tpu.memref_slice %arg7[%dma_start3A_285, %dma_start3A_287, %dma_start3A_288] : memref<5x128x128xf32, #tpu.memory_space<vmem>> -> memref<1x128x128xf32, #tpu.memory_space<vmem>>
    %dma_start3A_290 = tpu.memref_squeeze %dma_start3A_289 : memref<1x128x128xf32, #tpu.memory_space<vmem>> -> memref<128x128xf32, #tpu.memory_space<vmem>>
    %dma_start3A_291 = arith.constant 0 : i32
    %dma_start3A_292 = tpu.memref_slice %arg5[%mul3A_284, %dma_start3A_291] : memref<819200x128xf32, #tpu.memory_space<hbm>> -> memref<128x128xf32, #tpu.memory_space<hbm>>
    %dma_start3A_293 = tpu.memref_slice %arg10[%dma_start3A_286] : memref<5x!tpu.dma_semaphore, #tpu.memory_space<semaphore_mem>> -> memref<1x!tpu.dma_semaphore, #tpu.memory_space<semaphore_mem>>
    %dma_start3A_294 = tpu.memref_squeeze %dma_start3A_293 : memref<1x!tpu.dma_semaphore, #tpu.memory_space<semaphore_mem>> -> memref<!tpu.dma_semaphore, #tpu.memory_space<semaphore_mem>>
    %dma_start3A_295 = arith.constant 0 : i32
    %dma_start3A_296 = tpu.memref_slice %arg5[%mul3A_284, %dma_start3A_295] : memref<819200x128xf32, #tpu.memory_space<hbm>> -> memref<128x128xf32, #tpu.memory_space<hbm>>
    %dma_start3A_297 = arith.constant 0 : i32
    %dma_start3A_298 = arith.constant 0 : i32
    %dma_start3A_299 = tpu.memref_slice %arg7[%dma_start3A_285, %dma_start3A_297, %dma_start3A_298] : memref<5x128x128xf32, #tpu.memory_space<vmem>> -> memref<1x128x128xf32, #tpu.memory_space<vmem>>
    %dma_start3A_300 = tpu.memref_squeeze %dma_start3A_299 : memref<1x128x128xf32, #tpu.memory_space<vmem>> -> memref<128x128xf32, #tpu.memory_space<vmem>>
    tpu.enqueue_dma source(%dma_start3A_300 : memref<128x128xf32, #tpu.memory_space<vmem>>) target(%dma_start3A_296 : memref<128x128xf32, #tpu.memory_space<hbm>>) target_semaphore(%dma_start3A_294 : memref<!tpu.dma_semaphore, #tpu.memory_space<semaphore_mem>>)
    %dma_wait3A_301 = arith.constant 199 : i32
    %dma_wait3A_302 = arith.constant 4 : i32
    %dma_wait3A_303 = arith.constant 4 : i32
    %dma_wait3A_304 = arith.constant 0 : i32
    %dma_wait3A_305 = arith.constant 0 : i32
    %dma_wait3A_306 = tpu.memref_slice %arg7[%dma_wait3A_302, %dma_wait3A_304, %dma_wait3A_305] : memref<5x128x128xf32, #tpu.memory_space<vmem>> -> memref<1x128x128xf32, #tpu.memory_space<vmem>>
    %dma_wait3A_307 = tpu.memref_squeeze %dma_wait3A_306 : memref<1x128x128xf32, #tpu.memory_space<vmem>> -> memref<128x128xf32, #tpu.memory_space<vmem>>
    %dma_wait3A_308 = arith.constant 0 : i32
    %dma_wait3A_309 = tpu.memref_slice %arg6[%dma_wait3A_301, %dma_wait3A_308] : memref<200x128xi32, #tpu.memory_space<vmem>> -> memref<1x128xi32, #tpu.memory_space<vmem>>
    %dma_wait3A_310 = tpu.memref_squeeze %dma_wait3A_309 : memref<1x128xi32, #tpu.memory_space<vmem>> -> memref<128xi32, #tpu.memory_space<vmem>>
    %dma_wait3A_311 = arith.constant 0 : i32
    %dma_wait3A_312 = arith.constant 0 : i32
    %dma_wait3A_313 = tpu.memref_slice %arg3[%dma_wait3A_311, %dma_wait3A_312] : memref<100000x128xf32, #tpu.memory_space<hbm>> -> memref<100000x128xf32, #tpu.memory_space<hbm>>
    %dma_wait3A_314 = tpu.memref_slice %arg8[%dma_wait3A_303] : memref<5x!tpu.dma_semaphore, #tpu.memory_space<semaphore_mem>> -> memref<1x!tpu.dma_semaphore, #tpu.memory_space<semaphore_mem>>
    %dma_wait3A_315 = tpu.memref_squeeze %dma_wait3A_314 : memref<1x!tpu.dma_semaphore, #tpu.memory_space<semaphore_mem>> -> memref<!tpu.dma_semaphore, #tpu.memory_space<semaphore_mem>>
    tpu.wait_indirect_dma semaphore(%dma_wait3A_315 : memref<!tpu.dma_semaphore, #tpu.memory_space<semaphore_mem>>) src(%dma_wait3A_313 : memref<100000x128xf32, #tpu.memory_space<hbm>>) dst(%dma_wait3A_307 : memref<128x128xf32, #tpu.memory_space<vmem>>)
    %add3A_316 = arith.constant 199 : i32
    %add3A_317 = arith.addi %mul3A_2, %add3A_316 : i32
    %mul3A_318 = arith.constant 128 : i32
    %mul3A_319 = arith.muli %add3A_317, %mul3A_318 : i32
    %dma_start3A_320 = arith.constant 4 : i32
    %dma_start3A_321 = arith.constant 4 : i32
    %dma_start3A_322 = arith.constant 0 : i32
    %dma_start3A_323 = arith.constant 0 : i32
    %dma_start3A_324 = tpu.memref_slice %arg7[%dma_start3A_320, %dma_start3A_322, %dma_start3A_323] : memref<5x128x128xf32, #tpu.memory_space<vmem>> -> memref<1x128x128xf32, #tpu.memory_space<vmem>>
    %dma_start3A_325 = tpu.memref_squeeze %dma_start3A_324 : memref<1x128x128xf32, #tpu.memory_space<vmem>> -> memref<128x128xf32, #tpu.memory_space<vmem>>
    %dma_start3A_326 = arith.constant 0 : i32
    %dma_start3A_327 = tpu.memref_slice %arg4[%mul3A_319, %dma_start3A_326] : memref<819200x128xf32, #tpu.memory_space<hbm>> -> memref<128x128xf32, #tpu.memory_space<hbm>>
    %dma_start3A_328 = tpu.memref_slice %arg9[%dma_start3A_321] : memref<5x!tpu.dma_semaphore, #tpu.memory_space<semaphore_mem>> -> memref<1x!tpu.dma_semaphore, #tpu.memory_space<semaphore_mem>>
    %dma_start3A_329 = tpu.memref_squeeze %dma_start3A_328 : memref<1x!tpu.dma_semaphore, #tpu.memory_space<semaphore_mem>> -> memref<!tpu.dma_semaphore, #tpu.memory_space<semaphore_mem>>
    %dma_start3A_330 = arith.constant 0 : i32
    %dma_start3A_331 = tpu.memref_slice %arg4[%mul3A_319, %dma_start3A_330] : memref<819200x128xf32, #tpu.memory_space<hbm>> -> memref<128x128xf32, #tpu.memory_space<hbm>>
    %dma_start3A_332 = arith.constant 0 : i32
    %dma_start3A_333 = arith.constant 0 : i32
    %dma_start3A_334 = tpu.memref_slice %arg7[%dma_start3A_320, %dma_start3A_332, %dma_start3A_333] : memref<5x128x128xf32, #tpu.memory_space<vmem>> -> memref<1x128x128xf32, #tpu.memory_space<vmem>>
    %dma_start3A_335 = tpu.memref_squeeze %dma_start3A_334 : memref<1x128x128xf32, #tpu.memory_space<vmem>> -> memref<128x128xf32, #tpu.memory_space<vmem>>
    tpu.enqueue_dma source(%dma_start3A_335 : memref<128x128xf32, #tpu.memory_space<vmem>>) target(%dma_start3A_331 : memref<128x128xf32, #tpu.memory_space<hbm>>) target_semaphore(%dma_start3A_329 : memref<!tpu.dma_semaphore, #tpu.memory_space<semaphore_mem>>)
    %add3A_336 = arith.constant 199 : i32
    %add3A_337 = arith.addi %mul3A_2, %add3A_336 : i32
    %mul3A_338 = arith.constant 128 : i32
    %mul3A_339 = arith.muli %add3A_337, %mul3A_338 : i32
    %dma_start3A_340 = arith.constant 4 : i32
    %dma_start3A_341 = arith.constant 4 : i32
    %dma_start3A_342 = arith.constant 0 : i32
    %dma_start3A_343 = arith.constant 0 : i32
    %dma_start3A_344 = tpu.memref_slice %arg7[%dma_start3A_340, %dma_start3A_342, %dma_start3A_343] : memref<5x128x128xf32, #tpu.memory_space<vmem>> -> memref<1x128x128xf32, #tpu.memory_space<vmem>>
    %dma_start3A_345 = tpu.memref_squeeze %dma_start3A_344 : memref<1x128x128xf32, #tpu.memory_space<vmem>> -> memref<128x128xf32, #tpu.memory_space<vmem>>
    %dma_start3A_346 = arith.constant 0 : i32
    %dma_start3A_347 = tpu.memref_slice %arg5[%mul3A_339, %dma_start3A_346] : memref<819200x128xf32, #tpu.memory_space<hbm>> -> memref<128x128xf32, #tpu.memory_space<hbm>>
    %dma_start3A_348 = tpu.memref_slice %arg10[%dma_start3A_341] : memref<5x!tpu.dma_semaphore, #tpu.memory_space<semaphore_mem>> -> memref<1x!tpu.dma_semaphore, #tpu.memory_space<semaphore_mem>>
    %dma_start3A_349 = tpu.memref_squeeze %dma_start3A_348 : memref<1x!tpu.dma_semaphore, #tpu.memory_space<semaphore_mem>> -> memref<!tpu.dma_semaphore, #tpu.memory_space<semaphore_mem>>
    %dma_start3A_350 = arith.constant 0 : i32
    %dma_start3A_351 = tpu.memref_slice %arg5[%mul3A_339, %dma_start3A_350] : memref<819200x128xf32, #tpu.memory_space<hbm>> -> memref<128x128xf32, #tpu.memory_space<hbm>>
    %dma_start3A_352 = arith.constant 0 : i32
    %dma_start3A_353 = arith.constant 0 : i32
    %dma_start3A_354 = tpu.memref_slice %arg7[%dma_start3A_340, %dma_start3A_352, %dma_start3A_353] : memref<5x128x128xf32, #tpu.memory_space<vmem>> -> memref<1x128x128xf32, #tpu.memory_space<vmem>>
    %dma_start3A_355 = tpu.memref_squeeze %dma_start3A_354 : memref<1x128x128xf32, #tpu.memory_space<vmem>> -> memref<128x128xf32, #tpu.memory_space<vmem>>
    tpu.enqueue_dma source(%dma_start3A_355 : memref<128x128xf32, #tpu.memory_space<vmem>>) target(%dma_start3A_351 : memref<128x128xf32, #tpu.memory_space<hbm>>) target_semaphore(%dma_start3A_349 : memref<!tpu.dma_semaphore, #tpu.memory_space<semaphore_mem>>)
    %add3A_356 = arith.constant 195 : i32
    %add3A_357 = arith.addi %mul3A_2, %add3A_356 : i32
    %mul3A_358 = arith.constant 128 : i32
    %mul3A_359 = arith.muli %add3A_357, %mul3A_358 : i32
    %dma_wait3A_360 = arith.constant 0 : i32
    %dma_wait3A_361 = arith.constant 0 : i32
    %dma_wait3A_362 = arith.constant 0 : i32
    %dma_wait3A_363 = arith.constant 0 : i32
    %dma_wait3A_364 = tpu.memref_slice %arg7[%dma_wait3A_360, %dma_wait3A_362, %dma_wait3A_363] : memref<5x128x128xf32, #tpu.memory_space<vmem>> -> memref<1x128x128xf32, #tpu.memory_space<vmem>>
    %dma_wait3A_365 = tpu.memref_squeeze %dma_wait3A_364 : memref<1x128x128xf32, #tpu.memory_space<vmem>> -> memref<128x128xf32, #tpu.memory_space<vmem>>
    %dma_wait3A_366 = arith.constant 0 : i32
    %dma_wait3A_367 = tpu.memref_slice %arg4[%mul3A_359, %dma_wait3A_366] : memref<819200x128xf32, #tpu.memory_space<hbm>> -> memref<128x128xf32, #tpu.memory_space<hbm>>
    %dma_wait3A_368 = tpu.memref_slice %arg9[%dma_wait3A_361] : memref<5x!tpu.dma_semaphore, #tpu.memory_space<semaphore_mem>> -> memref<1x!tpu.dma_semaphore, #tpu.memory_space<semaphore_mem>>
    %dma_wait3A_369 = tpu.memref_squeeze %dma_wait3A_368 : memref<1x!tpu.dma_semaphore, #tpu.memory_space<semaphore_mem>> -> memref<!tpu.dma_semaphore, #tpu.memory_space<semaphore_mem>>
    %dma_wait3A_370 = arith.constant 0 : i32
    %dma_wait3A_371 = tpu.memref_slice %arg4[%mul3A_359, %dma_wait3A_370] : memref<819200x128xf32, #tpu.memory_space<hbm>> -> memref<128x128xf32, #tpu.memory_space<hbm>>
    %dma_wait3A_372 = arith.constant 0 : i32
    %dma_wait3A_373 = arith.constant 0 : i32
    %dma_wait3A_374 = tpu.memref_slice %arg7[%dma_wait3A_360, %dma_wait3A_372, %dma_wait3A_373] : memref<5x128x128xf32, #tpu.memory_space<vmem>> -> memref<1x128x128xf32, #tpu.memory_space<vmem>>
    %dma_wait3A_375 = tpu.memref_squeeze %dma_wait3A_374 : memref<1x128x128xf32, #tpu.memory_space<vmem>> -> memref<128x128xf32, #tpu.memory_space<vmem>>
    tpu.wait_dma2 semaphore(%dma_wait3A_369 : memref<!tpu.dma_semaphore, #tpu.memory_space<semaphore_mem>>) src(%dma_wait3A_375 : memref<128x128xf32, #tpu.memory_space<vmem>>) dst(%dma_wait3A_371 : memref<128x128xf32, #tpu.memory_space<hbm>>)
    %add3A_376 = arith.constant 195 : i32
    %add3A_377 = arith.addi %mul3A_2, %add3A_376 : i32
    %mul3A_378 = arith.constant 128 : i32
    %mul3A_379 = arith.muli %add3A_377, %mul3A_378 : i32
    %dma_wait3A_380 = arith.constant 0 : i32
    %dma_wait3A_381 = arith.constant 0 : i32
    %dma_wait3A_382 = arith.constant 0 : i32
    %dma_wait3A_383 = arith.constant 0 : i32
    %dma_wait3A_384 = tpu.memref_slice %arg7[%dma_wait3A_380, %dma_wait3A_382, %dma_wait3A_383] : memref<5x128x128xf32, #tpu.memory_space<vmem>> -> memref<1x128x128xf32, #tpu.memory_space<vmem>>
    %dma_wait3A_385 = tpu.memref_squeeze %dma_wait3A_384 : memref<1x128x128xf32, #tpu.memory_space<vmem>> -> memref<128x128xf32, #tpu.memory_space<vmem>>
    %dma_wait3A_386 = arith.constant 0 : i32
    %dma_wait3A_387 = tpu.memref_slice %arg5[%mul3A_379, %dma_wait3A_386] : memref<819200x128xf32, #tpu.memory_space<hbm>> -> memref<128x128xf32, #tpu.memory_space<hbm>>
    %dma_wait3A_388 = tpu.memref_slice %arg10[%dma_wait3A_381] : memref<5x!tpu.dma_semaphore, #tpu.memory_space<semaphore_mem>> -> memref<1x!tpu.dma_semaphore, #tpu.memory_space<semaphore_mem>>
    %dma_wait3A_389 = tpu.memref_squeeze %dma_wait3A_388 : memref<1x!tpu.dma_semaphore, #tpu.memory_space<semaphore_mem>> -> memref<!tpu.dma_semaphore, #tpu.memory_space<semaphore_mem>>
    %dma_wait3A_390 = arith.constant 0 : i32
    %dma_wait3A_391 = tpu.memref_slice %arg5[%mul3A_379, %dma_wait3A_390] : memref<819200x128xf32, #tpu.memory_space<hbm>> -> memref<128x128xf32, #tpu.memory_space<hbm>>
    %dma_wait3A_392 = arith.constant 0 : i32
    %dma_wait3A_393 = arith.constant 0 : i32
    %dma_wait3A_394 = tpu.memref_slice %arg7[%dma_wait3A_380, %dma_wait3A_392, %dma_wait3A_393] : memref<5x128x128xf32, #tpu.memory_space<vmem>> -> memref<1x128x128xf32, #tpu.memory_space<vmem>>
    %dma_wait3A_395 = tpu.memref_squeeze %dma_wait3A_394 : memref<1x128x128xf32, #tpu.memory_space<vmem>> -> memref<128x128xf32, #tpu.memory_space<vmem>>
    tpu.wait_dma2 semaphore(%dma_wait3A_389 : memref<!tpu.dma_semaphore, #tpu.memory_space<semaphore_mem>>) src(%dma_wait3A_395 : memref<128x128xf32, #tpu.memory_space<vmem>>) dst(%dma_wait3A_391 : memref<128x128xf32, #tpu.memory_space<hbm>>)
    %add3A_396 = arith.constant 196 : i32
    %add3A_397 = arith.addi %mul3A_2, %add3A_396 : i32
    %mul3A_398 = arith.constant 128 : i32
    %mul3A_399 = arith.muli %add3A_397, %mul3A_398 : i32
    %dma_wait3A_400 = arith.constant 1 : i32
    %dma_wait3A_401 = arith.constant 1 : i32
    %dma_wait3A_402 = arith.constant 0 : i32
    %dma_wait3A_403 = arith.constant 0 : i32
    %dma_wait3A_404 = tpu.memref_slice %arg7[%dma_wait3A_400, %dma_wait3A_402, %dma_wait3A_403] : memref<5x128x128xf32, #tpu.memory_space<vmem>> -> memref<1x128x128xf32, #tpu.memory_space<vmem>>
    %dma_wait3A_405 = tpu.memref_squeeze %dma_wait3A_404 : memref<1x128x128xf32, #tpu.memory_space<vmem>> -> memref<128x128xf32, #tpu.memory_space<vmem>>
    %dma_wait3A_406 = arith.constant 0 : i32
    %dma_wait3A_407 = tpu.memref_slice %arg4[%mul3A_399, %dma_wait3A_406] : memref<819200x128xf32, #tpu.memory_space<hbm>> -> memref<128x128xf32, #tpu.memory_space<hbm>>
    %dma_wait3A_408 = tpu.memref_slice %arg9[%dma_wait3A_401] : memref<5x!tpu.dma_semaphore, #tpu.memory_space<semaphore_mem>> -> memref<1x!tpu.dma_semaphore, #tpu.memory_space<semaphore_mem>>
    %dma_wait3A_409 = tpu.memref_squeeze %dma_wait3A_408 : memref<1x!tpu.dma_semaphore, #tpu.memory_space<semaphore_mem>> -> memref<!tpu.dma_semaphore, #tpu.memory_space<semaphore_mem>>
    %dma_wait3A_410 = arith.constant 0 : i32
    %dma_wait3A_411 = tpu.memref_slice %arg4[%mul3A_399, %dma_wait3A_410] : memref<819200x128xf32, #tpu.memory_space<hbm>> -> memref<128x128xf32, #tpu.memory_space<hbm>>
    %dma_wait3A_412 = arith.constant 0 : i32
    %dma_wait3A_413 = arith.constant 0 : i32
    %dma_wait3A_414 = tpu.memref_slice %arg7[%dma_wait3A_400, %dma_wait3A_412, %dma_wait3A_413] : memref<5x128x128xf32, #tpu.memory_space<vmem>> -> memref<1x128x128xf32, #tpu.memory_space<vmem>>
    %dma_wait3A_415 = tpu.memref_squeeze %dma_wait3A_414 : memref<1x128x128xf32, #tpu.memory_space<vmem>> -> memref<128x128xf32, #tpu.memory_space<vmem>>
    tpu.wait_dma2 semaphore(%dma_wait3A_409 : memref<!tpu.dma_semaphore, #tpu.memory_space<semaphore_mem>>) src(%dma_wait3A_415 : memref<128x128xf32, #tpu.memory_space<vmem>>) dst(%dma_wait3A_411 : memref<128x128xf32, #tpu.memory_space<hbm>>)
    %add3A_416 = arith.constant 196 : i32
    %add3A_417 = arith.addi %mul3A_2, %add3A_416 : i32
    %mul3A_418 = arith.constant 128 : i32
    %mul3A_419 = arith.muli %add3A_417, %mul3A_418 : i32
    %dma_wait3A_420 = arith.constant 1 : i32
    %dma_wait3A_421 = arith.constant 1 : i32
    %dma_wait3A_422 = arith.constant 0 : i32
    %dma_wait3A_423 = arith.constant 0 : i32
    %dma_wait3A_424 = tpu.memref_slice %arg7[%dma_wait3A_420, %dma_wait3A_422, %dma_wait3A_423] : memref<5x128x128xf32, #tpu.memory_space<vmem>> -> memref<1x128x128xf32, #tpu.memory_space<vmem>>
    %dma_wait3A_425 = tpu.memref_squeeze %dma_wait3A_424 : memref<1x128x128xf32, #tpu.memory_space<vmem>> -> memref<128x128xf32, #tpu.memory_space<vmem>>
    %dma_wait3A_426 = arith.constant 0 : i32
    %dma_wait3A_427 = tpu.memref_slice %arg5[%mul3A_419, %dma_wait3A_426] : memref<819200x128xf32, #tpu.memory_space<hbm>> -> memref<128x128xf32, #tpu.memory_space<hbm>>
    %dma_wait3A_428 = tpu.memref_slice %arg10[%dma_wait3A_421] : memref<5x!tpu.dma_semaphore, #tpu.memory_space<semaphore_mem>> -> memref<1x!tpu.dma_semaphore, #tpu.memory_space<semaphore_mem>>
    %dma_wait3A_429 = tpu.memref_squeeze %dma_wait3A_428 : memref<1x!tpu.dma_semaphore, #tpu.memory_space<semaphore_mem>> -> memref<!tpu.dma_semaphore, #tpu.memory_space<semaphore_mem>>
    %dma_wait3A_430 = arith.constant 0 : i32
    %dma_wait3A_431 = tpu.memref_slice %arg5[%mul3A_419, %dma_wait3A_430] : memref<819200x128xf32, #tpu.memory_space<hbm>> -> memref<128x128xf32, #tpu.memory_space<hbm>>
    %dma_wait3A_432 = arith.constant 0 : i32
    %dma_wait3A_433 = arith.constant 0 : i32
    %dma_wait3A_434 = tpu.memref_slice %arg7[%dma_wait3A_420, %dma_wait3A_432, %dma_wait3A_433] : memref<5x128x128xf32, #tpu.memory_space<vmem>> -> memref<1x128x128xf32, #tpu.memory_space<vmem>>
    %dma_wait3A_435 = tpu.memref_squeeze %dma_wait3A_434 : memref<1x128x128xf32, #tpu.memory_space<vmem>> -> memref<128x128xf32, #tpu.memory_space<vmem>>
    tpu.wait_dma2 semaphore(%dma_wait3A_429 : memref<!tpu.dma_semaphore, #tpu.memory_space<semaphore_mem>>) src(%dma_wait3A_435 : memref<128x128xf32, #tpu.memory_space<vmem>>) dst(%dma_wait3A_431 : memref<128x128xf32, #tpu.memory_space<hbm>>)
    %add3A_436 = arith.constant 197 : i32
    %add3A_437 = arith.addi %mul3A_2, %add3A_436 : i32
    %mul3A_438 = arith.constant 128 : i32
    %mul3A_439 = arith.muli %add3A_437, %mul3A_438 : i32
    %dma_wait3A_440 = arith.constant 2 : i32
    %dma_wait3A_441 = arith.constant 2 : i32
    %dma_wait3A_442 = arith.constant 0 : i32
    %dma_wait3A_443 = arith.constant 0 : i32
    %dma_wait3A_444 = tpu.memref_slice %arg7[%dma_wait3A_440, %dma_wait3A_442, %dma_wait3A_443] : memref<5x128x128xf32, #tpu.memory_space<vmem>> -> memref<1x128x128xf32, #tpu.memory_space<vmem>>
    %dma_wait3A_445 = tpu.memref_squeeze %dma_wait3A_444 : memref<1x128x128xf32, #tpu.memory_space<vmem>> -> memref<128x128xf32, #tpu.memory_space<vmem>>
    %dma_wait3A_446 = arith.constant 0 : i32
    %dma_wait3A_447 = tpu.memref_slice %arg4[%mul3A_439, %dma_wait3A_446] : memref<819200x128xf32, #tpu.memory_space<hbm>> -> memref<128x128xf32, #tpu.memory_space<hbm>>
    %dma_wait3A_448 = tpu.memref_slice %arg9[%dma_wait3A_441] : memref<5x!tpu.dma_semaphore, #tpu.memory_space<semaphore_mem>> -> memref<1x!tpu.dma_semaphore, #tpu.memory_space<semaphore_mem>>
    %dma_wait3A_449 = tpu.memref_squeeze %dma_wait3A_448 : memref<1x!tpu.dma_semaphore, #tpu.memory_space<semaphore_mem>> -> memref<!tpu.dma_semaphore, #tpu.memory_space<semaphore_mem>>
    %dma_wait3A_450 = arith.constant 0 : i32
    %dma_wait3A_451 = tpu.memref_slice %arg4[%mul3A_439, %dma_wait3A_450] : memref<819200x128xf32, #tpu.memory_space<hbm>> -> memref<128x128xf32, #tpu.memory_space<hbm>>
    %dma_wait3A_452 = arith.constant 0 : i32
    %dma_wait3A_453 = arith.constant 0 : i32
    %dma_wait3A_454 = tpu.memref_slice %arg7[%dma_wait3A_440, %dma_wait3A_452, %dma_wait3A_453] : memref<5x128x128xf32, #tpu.memory_space<vmem>> -> memref<1x128x128xf32, #tpu.memory_space<vmem>>
    %dma_wait3A_455 = tpu.memref_squeeze %dma_wait3A_454 : memref<1x128x128xf32, #tpu.memory_space<vmem>> -> memref<128x128xf32, #tpu.memory_space<vmem>>
    tpu.wait_dma2 semaphore(%dma_wait3A_449 : memref<!tpu.dma_semaphore, #tpu.memory_space<semaphore_mem>>) src(%dma_wait3A_455 : memref<128x128xf32, #tpu.memory_space<vmem>>) dst(%dma_wait3A_451 : memref<128x128xf32, #tpu.memory_space<hbm>>)
    %add3A_456 = arith.constant 197 : i32
    %add3A_457 = arith.addi %mul3A_2, %add3A_456 : i32
    %mul3A_458 = arith.constant 128 : i32
    %mul3A_459 = arith.muli %add3A_457, %mul3A_458 : i32
    %dma_wait3A_460 = arith.constant 2 : i32
    %dma_wait3A_461 = arith.constant 2 : i32
    %dma_wait3A_462 = arith.constant 0 : i32
    %dma_wait3A_463 = arith.constant 0 : i32
    %dma_wait3A_464 = tpu.memref_slice %arg7[%dma_wait3A_460, %dma_wait3A_462, %dma_wait3A_463] : memref<5x128x128xf32, #tpu.memory_space<vmem>> -> memref<1x128x128xf32, #tpu.memory_space<vmem>>
    %dma_wait3A_465 = tpu.memref_squeeze %dma_wait3A_464 : memref<1x128x128xf32, #tpu.memory_space<vmem>> -> memref<128x128xf32, #tpu.memory_space<vmem>>
    %dma_wait3A_466 = arith.constant 0 : i32
    %dma_wait3A_467 = tpu.memref_slice %arg5[%mul3A_459, %dma_wait3A_466] : memref<819200x128xf32, #tpu.memory_space<hbm>> -> memref<128x128xf32, #tpu.memory_space<hbm>>
    %dma_wait3A_468 = tpu.memref_slice %arg10[%dma_wait3A_461] : memref<5x!tpu.dma_semaphore, #tpu.memory_space<semaphore_mem>> -> memref<1x!tpu.dma_semaphore, #tpu.memory_space<semaphore_mem>>
    %dma_wait3A_469 = tpu.memref_squeeze %dma_wait3A_468 : memref<1x!tpu.dma_semaphore, #tpu.memory_space<semaphore_mem>> -> memref<!tpu.dma_semaphore, #tpu.memory_space<semaphore_mem>>
    %dma_wait3A_470 = arith.constant 0 : i32
    %dma_wait3A_471 = tpu.memref_slice %arg5[%mul3A_459, %dma_wait3A_470] : memref<819200x128xf32, #tpu.memory_space<hbm>> -> memref<128x128xf32, #tpu.memory_space<hbm>>
    %dma_wait3A_472 = arith.constant 0 : i32
    %dma_wait3A_473 = arith.constant 0 : i32
    %dma_wait3A_474 = tpu.memref_slice %arg7[%dma_wait3A_460, %dma_wait3A_472, %dma_wait3A_473] : memref<5x128x128xf32, #tpu.memory_space<vmem>> -> memref<1x128x128xf32, #tpu.memory_space<vmem>>
    %dma_wait3A_475 = tpu.memref_squeeze %dma_wait3A_474 : memref<1x128x128xf32, #tpu.memory_space<vmem>> -> memref<128x128xf32, #tpu.memory_space<vmem>>
    tpu.wait_dma2 semaphore(%dma_wait3A_469 : memref<!tpu.dma_semaphore, #tpu.memory_space<semaphore_mem>>) src(%dma_wait3A_475 : memref<128x128xf32, #tpu.memory_space<vmem>>) dst(%dma_wait3A_471 : memref<128x128xf32, #tpu.memory_space<hbm>>)
    %add3A_476 = arith.constant 198 : i32
    %add3A_477 = arith.addi %mul3A_2, %add3A_476 : i32
    %mul3A_478 = arith.constant 128 : i32
    %mul3A_479 = arith.muli %add3A_477, %mul3A_478 : i32
    %dma_wait3A_480 = arith.constant 3 : i32
    %dma_wait3A_481 = arith.constant 3 : i32
    %dma_wait3A_482 = arith.constant 0 : i32
    %dma_wait3A_483 = arith.constant 0 : i32
    %dma_wait3A_484 = tpu.memref_slice %arg7[%dma_wait3A_480, %dma_wait3A_482, %dma_wait3A_483] : memref<5x128x128xf32, #tpu.memory_space<vmem>> -> memref<1x128x128xf32, #tpu.memory_space<vmem>>
    %dma_wait3A_485 = tpu.memref_squeeze %dma_wait3A_484 : memref<1x128x128xf32, #tpu.memory_space<vmem>> -> memref<128x128xf32, #tpu.memory_space<vmem>>
    %dma_wait3A_486 = arith.constant 0 : i32
    %dma_wait3A_487 = tpu.memref_slice %arg4[%mul3A_479, %dma_wait3A_486] : memref<819200x128xf32, #tpu.memory_space<hbm>> -> memref<128x128xf32, #tpu.memory_space<hbm>>
    %dma_wait3A_488 = tpu.memref_slice %arg9[%dma_wait3A_481] : memref<5x!tpu.dma_semaphore, #tpu.memory_space<semaphore_mem>> -> memref<1x!tpu.dma_semaphore, #tpu.memory_space<semaphore_mem>>
    %dma_wait3A_489 = tpu.memref_squeeze %dma_wait3A_488 : memref<1x!tpu.dma_semaphore, #tpu.memory_space<semaphore_mem>> -> memref<!tpu.dma_semaphore, #tpu.memory_space<semaphore_mem>>
    %dma_wait3A_490 = arith.constant 0 : i32
    %dma_wait3A_491 = tpu.memref_slice %arg4[%mul3A_479, %dma_wait3A_490] : memref<819200x128xf32, #tpu.memory_space<hbm>> -> memref<128x128xf32, #tpu.memory_space<hbm>>
    %dma_wait3A_492 = arith.constant 0 : i32
    %dma_wait3A_493 = arith.constant 0 : i32
    %dma_wait3A_494 = tpu.memref_slice %arg7[%dma_wait3A_480, %dma_wait3A_492, %dma_wait3A_493] : memref<5x128x128xf32, #tpu.memory_space<vmem>> -> memref<1x128x128xf32, #tpu.memory_space<vmem>>
    %dma_wait3A_495 = tpu.memref_squeeze %dma_wait3A_494 : memref<1x128x128xf32, #tpu.memory_space<vmem>> -> memref<128x128xf32, #tpu.memory_space<vmem>>
    tpu.wait_dma2 semaphore(%dma_wait3A_489 : memref<!tpu.dma_semaphore, #tpu.memory_space<semaphore_mem>>) src(%dma_wait3A_495 : memref<128x128xf32, #tpu.memory_space<vmem>>) dst(%dma_wait3A_491 : memref<128x128xf32, #tpu.memory_space<hbm>>)
    %add3A_496 = arith.constant 198 : i32
    %add3A_497 = arith.addi %mul3A_2, %add3A_496 : i32
    %mul3A_498 = arith.constant 128 : i32
    %mul3A_499 = arith.muli %add3A_497, %mul3A_498 : i32
    %dma_wait3A_500 = arith.constant 3 : i32
    %dma_wait3A_501 = arith.constant 3 : i32
    %dma_wait3A_502 = arith.constant 0 : i32
    %dma_wait3A_503 = arith.constant 0 : i32
    %dma_wait3A_504 = tpu.memref_slice %arg7[%dma_wait3A_500, %dma_wait3A_502, %dma_wait3A_503] : memref<5x128x128xf32, #tpu.memory_space<vmem>> -> memref<1x128x128xf32, #tpu.memory_space<vmem>>
    %dma_wait3A_505 = tpu.memref_squeeze %dma_wait3A_504 : memref<1x128x128xf32, #tpu.memory_space<vmem>> -> memref<128x128xf32, #tpu.memory_space<vmem>>
    %dma_wait3A_506 = arith.constant 0 : i32
    %dma_wait3A_507 = tpu.memref_slice %arg5[%mul3A_499, %dma_wait3A_506] : memref<819200x128xf32, #tpu.memory_space<hbm>> -> memref<128x128xf32, #tpu.memory_space<hbm>>
    %dma_wait3A_508 = tpu.memref_slice %arg10[%dma_wait3A_501] : memref<5x!tpu.dma_semaphore, #tpu.memory_space<semaphore_mem>> -> memref<1x!tpu.dma_semaphore, #tpu.memory_space<semaphore_mem>>
    %dma_wait3A_509 = tpu.memref_squeeze %dma_wait3A_508 : memref<1x!tpu.dma_semaphore, #tpu.memory_space<semaphore_mem>> -> memref<!tpu.dma_semaphore, #tpu.memory_space<semaphore_mem>>
    %dma_wait3A_510 = arith.constant 0 : i32
    %dma_wait3A_511 = tpu.memref_slice %arg5[%mul3A_499, %dma_wait3A_510] : memref<819200x128xf32, #tpu.memory_space<hbm>> -> memref<128x128xf32, #tpu.memory_space<hbm>>
    %dma_wait3A_512 = arith.constant 0 : i32
    %dma_wait3A_513 = arith.constant 0 : i32
    %dma_wait3A_514 = tpu.memref_slice %arg7[%dma_wait3A_500, %dma_wait3A_512, %dma_wait3A_513] : memref<5x128x128xf32, #tpu.memory_space<vmem>> -> memref<1x128x128xf32, #tpu.memory_space<vmem>>
    %dma_wait3A_515 = tpu.memref_squeeze %dma_wait3A_514 : memref<1x128x128xf32, #tpu.memory_space<vmem>> -> memref<128x128xf32, #tpu.memory_space<vmem>>
    tpu.wait_dma2 semaphore(%dma_wait3A_509 : memref<!tpu.dma_semaphore, #tpu.memory_space<semaphore_mem>>) src(%dma_wait3A_515 : memref<128x128xf32, #tpu.memory_space<vmem>>) dst(%dma_wait3A_511 : memref<128x128xf32, #tpu.memory_space<hbm>>)
    %add3A_516 = arith.constant 199 : i32
    %add3A_517 = arith.addi %mul3A_2, %add3A_516 : i32
    %mul3A_518 = arith.constant 128 : i32
    %mul3A_519 = arith.muli %add3A_517, %mul3A_518 : i32
    %dma_wait3A_520 = arith.constant 4 : i32
    %dma_wait3A_521 = arith.constant 4 : i32
    %dma_wait3A_522 = arith.constant 0 : i32
    %dma_wait3A_523 = arith.constant 0 : i32
    %dma_wait3A_524 = tpu.memref_slice %arg7[%dma_wait3A_520, %dma_wait3A_522, %dma_wait3A_523] : memref<5x128x128xf32, #tpu.memory_space<vmem>> -> memref<1x128x128xf32, #tpu.memory_space<vmem>>
    %dma_wait3A_525 = tpu.memref_squeeze %dma_wait3A_524 : memref<1x128x128xf32, #tpu.memory_space<vmem>> -> memref<128x128xf32, #tpu.memory_space<vmem>>
    %dma_wait3A_526 = arith.constant 0 : i32
    %dma_wait3A_527 = tpu.memref_slice %arg4[%mul3A_519, %dma_wait3A_526] : memref<819200x128xf32, #tpu.memory_space<hbm>> -> memref<128x128xf32, #tpu.memory_space<hbm>>
    %dma_wait3A_528 = tpu.memref_slice %arg9[%dma_wait3A_521] : memref<5x!tpu.dma_semaphore, #tpu.memory_space<semaphore_mem>> -> memref<1x!tpu.dma_semaphore, #tpu.memory_space<semaphore_mem>>
    %dma_wait3A_529 = tpu.memref_squeeze %dma_wait3A_528 : memref<1x!tpu.dma_semaphore, #tpu.memory_space<semaphore_mem>> -> memref<!tpu.dma_semaphore, #tpu.memory_space<semaphore_mem>>
    %dma_wait3A_530 = arith.constant 0 : i32
    %dma_wait3A_531 = tpu.memref_slice %arg4[%mul3A_519, %dma_wait3A_530] : memref<819200x128xf32, #tpu.memory_space<hbm>> -> memref<128x128xf32, #tpu.memory_space<hbm>>
    %dma_wait3A_532 = arith.constant 0 : i32
    %dma_wait3A_533 = arith.constant 0 : i32
    %dma_wait3A_534 = tpu.memref_slice %arg7[%dma_wait3A_520, %dma_wait3A_532, %dma_wait3A_533] : memref<5x128x128xf32, #tpu.memory_space<vmem>> -> memref<1x128x128xf32, #tpu.memory_space<vmem>>
    %dma_wait3A_535 = tpu.memref_squeeze %dma_wait3A_534 : memref<1x128x128xf32, #tpu.memory_space<vmem>> -> memref<128x128xf32, #tpu.memory_space<vmem>>
    tpu.wait_dma2 semaphore(%dma_wait3A_529 : memref<!tpu.dma_semaphore, #tpu.memory_space<semaphore_mem>>) src(%dma_wait3A_535 : memref<128x128xf32, #tpu.memory_space<vmem>>) dst(%dma_wait3A_531 : memref<128x128xf32, #tpu.memory_space<hbm>>)
    %add3A_536 = arith.constant 199 : i32
    %add3A_537 = arith.addi %mul3A_2, %add3A_536 : i32
    %mul3A_538 = arith.constant 128 : i32
    %mul3A_539 = arith.muli %add3A_537, %mul3A_538 : i32
    %dma_wait3A_540 = arith.constant 4 : i32
    %dma_wait3A_541 = arith.constant 4 : i32
    %dma_wait3A_542 = arith.constant 0 : i32
    %dma_wait3A_543 = arith.constant 0 : i32
    %dma_wait3A_544 = tpu.memref_slice %arg7[%dma_wait3A_540, %dma_wait3A_542, %dma_wait3A_543] : memref<5x128x128xf32, #tpu.memory_space<vmem>> -> memref<1x128x128xf32, #tpu.memory_space<vmem>>
    %dma_wait3A_545 = tpu.memref_squeeze %dma_wait3A_544 : memref<1x128x128xf32, #tpu.memory_space<vmem>> -> memref<128x128xf32, #tpu.memory_space<vmem>>
    %dma_wait3A_546 = arith.constant 0 : i32
    %dma_wait3A_547 = tpu.memref_slice %arg5[%mul3A_539, %dma_wait3A_546] : memref<819200x128xf32, #tpu.memory_space<hbm>> -> memref<128x128xf32, #tpu.memory_space<hbm>>
    %dma_wait3A_548 = tpu.memref_slice %arg10[%dma_wait3A_541] : memref<5x!tpu.dma_semaphore, #tpu.memory_space<semaphore_mem>> -> memref<1x!tpu.dma_semaphore, #tpu.memory_space<semaphore_mem>>
    %dma_wait3A_549 = tpu.memref_squeeze %dma_wait3A_548 : memref<1x!tpu.dma_semaphore, #tpu.memory_space<semaphore_mem>> -> memref<!tpu.dma_semaphore, #tpu.memory_space<semaphore_mem>>
    %dma_wait3A_550 = arith.constant 0 : i32
    %dma_wait3A_551 = tpu.memref_slice %arg5[%mul3A_539, %dma_wait3A_550] : memref<819200x128xf32, #tpu.memory_space<hbm>> -> memref<128x128xf32, #tpu.memory_space<hbm>>
    %dma_wait3A_552 = arith.constant 0 : i32
    %dma_wait3A_553 = arith.constant 0 : i32
    %dma_wait3A_554 = tpu.memref_slice %arg7[%dma_wait3A_540, %dma_wait3A_552, %dma_wait3A_553] : memref<5x128x128xf32, #tpu.memory_space<vmem>> -> memref<1x128x128xf32, #tpu.memory_space<vmem>>
    %dma_wait3A_555 = tpu.memref_squeeze %dma_wait3A_554 : memref<1x128x128xf32, #tpu.memory_space<vmem>> -> memref<128x128xf32, #tpu.memory_space<vmem>>
    tpu.wait_dma2 semaphore(%dma_wait3A_549 : memref<!tpu.dma_semaphore, #tpu.memory_space<semaphore_mem>>) src(%dma_wait3A_555 : memref<128x128xf32, #tpu.memory_space<vmem>>) dst(%dma_wait3A_551 : memref<128x128xf32, #tpu.memory_space<hbm>>)
    return
  }
}

</mosaic_0001>

<sc_bundles>
// kernel: kernel.3.cloned.1.call-start
scs
__scs_entry_jumppad:
0x0: {  	(pc) =	sbr.rel $0x88, $3  }
0x1: {  	(tag) =	ssettag $0x0;
	lr =	simm.s32 $0x1  }
0x2: {  	[smem:$0x3F9F] =	sst lr;
	_ =	strace $0xD0000000  }
0x3: {  	_ = 	snop  }
0x4: {  	_ = 	snop  }
0x5: {  	_ = 	snop  }
0x6: {  	_ = 	snop  }
0x7: {  	_ = 	snop  }
__scs_overlays_trampoline_lowered:
0x8: {  	[smem:$0x3FAE] =	sst s0  }
0x9: {  	[smem:$0x3FAF] =	sst s1  }
0xa: {  	[smem:$0x3FB0] =	sst s2  }
0xb: {  	[smem:$0x3FB1] =	sst s3  }
0xc: {  	[smem:$0x3FB2] =	sst s4  }
0xd: {  	[smem:$0x3FB3] =	sst s5  }
0xe: {  	[smem:$0x3FB4] =	sst s6  }
0xf: {  	[smem:$0x3FB5] =	sst s7  }
0x10: {  	[smem:$0x3FB6] =	sst s8  }
0x11: {  	[smem:$0x3FB7] =	sst s9;
	s0 =	simm.s32 @!p0 $0x0  }
0x12: {  	s1 =	sld [smem:$0x3F9D];
	s0 =	simm.s32 @p0 $0x1  }
0x13: {  	[smem:$0x3FB8] =	sst s0;
	s0 =	simm.s32 @!p1 $0x0  }
0x14: {  	s2 =	sld [smem:$0x3F9C];
	s0 =	simm.s32 @p1 $0x1  }
0x15: {  	[smem:$0x3FB9] =	sst s0;
	s0 =	simm.s32 @!p2 $0x0  }
0x16: {  	s3 =	sld [smem:$0x3FDB];
	s0 =	simm.s32 @p2 $0x1  }
0x17: {  	s4 =	simm.s32 $0x1BF5;
	[smem:$0x3FBB] =	sst s0  }
0x18: {  	s0 =	sld [smem:$0x3F9E];
	_ =	swait.ge [sflag:s4], $0x0  }
0x19: {  	s7 =	sld [smem:$0x3F9F]  }
0x1a: {  	s8 =	sadd.s32 $0xFFFFE003, lr  }
0x1b: {  	s9 =	sadd.s32 $0xFFFFFEF7, lr;
	s5 =	simm.s32 $0xFFFFFFFF;
	p2 =	slt.u32 s8, $0xFFFFF086  }
0x1c: {  	p1 =	slt.u32 s9, $0xF7A;
	s5 =	simm.s32 @!p2 $0x0  }
0x1d: {  	s5 =	simm.s32 @p1 $0x1;
	p0 =	seq.s32 s7, s2  }
0x1e: {  	s7 =	smul.u32 @!p0 $0xF7A, s2;
	p2 =	seq.s32 @!p0 s5, $0x0  }
0x1f: {  	s9 =	smul.u32 $0xF7A, s1;
	s8 =	simm.s32 @!p0 $0x1BF5;
	p2 =	por !p2, p0  }
0x20: {  	[sflag:s8] =	ssyncset.s32 @!p0 $0xFFFFF086;
	s6 =	sadd.s32 @!p0 s3, s7;
	s7 =	simm.s32 @!p0 $0x108  }
0x21: {  	s3 =	sadd.s32 s3, s9;
	s6 =	sadd.s32 @!p0 $0x88, s6;
	s7 =	simm.s32 @p2 $0x1082  }
0x22: {  	[simem:s7], [sflag:s8] =	dma.local @!p0 [hbm:s6], $0xF7A  }
0x23: {  	s9 =	sor.u32 $0xD0000000, s2;
	s6 =	simm.s32 $0x108;
	_ =	swait.ge @!p0 [sflag:s8], $0x0  }
0x24: {  	s3 =	sadd.s32 $0x88, s3;
	s6 =	simm.s32 @!p1 $0x1082;
	[sflag:s4] =	ssyncset.s32 $0xFFFFF086  }
0x25: {  	[simem:s6], [sflag:s4] =	dma.local [hbm:s3], $0xF7A  }
0x26: {  	[smem:$0x3F9F] =	sst s1;
	(tag) =	ssettag s2;
	_ =	strace s9  }
0x27: {  	s1 =	sld [smem:$0x3FAF]  }
0x28: {  	s2 =	sld [smem:$0x3FB0]  }
0x29: {  	s4 =	sld [smem:$0x3FB2]  }
0x2a: {  	p0 =	seq.s32 s5, $0x0;
	s5 =	sld [smem:$0x3FB3]  }
0x2b: {  	s6 =	sld [smem:$0x3FB4]  }
0x2c: {  	s7 =	sld [smem:$0x3FB5]  }
0x2d: {  	s3 =	simm.s32 $0x108;
	s8 =	sld [smem:$0x3FB6]  }
0x2e: {  	s3 =	simm.s32 @!p0 $0x1082;
	s9 =	sld [smem:$0x3FB7]  }
0x2f: {  	lr =	sadd.s32 s0, s3;
	s0 =	sld [smem:$0x3FAE]  }
0x30: {  	s3 =	sld [smem:$0x3FB1]  }
0x31: {  	[smem:$0x3FBA] =	sst s10  }
0x32: {  	s10 =	sld [smem:$0x3FB8];
	_ =	sdelay $0x3  }
0x33: {  	p0 =	seq.s32 s10, $0x1;
	s10 =	sld [smem:$0x3FBA];
	_ =	sdelay $0x3  }
0x34: {  	[smem:$0x3FBA] =	sst s10  }
0x35: {  	s10 =	sld [smem:$0x3FB9];
	_ =	sdelay $0x3  }
0x36: {  	p1 =	seq.s32 s10, $0x1;
	s10 =	sld [smem:$0x3FBA];
	_ =	sdelay $0x3  }
0x37: {  	[smem:$0x3FBA] =	sst s10  }
0x38: {  	s10 =	sld [smem:$0x3FBB]  }
0x39: {  	_ = 	snop;
	(pc) =	sbr.ind lr, $3  }
0x3a: {  	_ = 	snop  }
0x3b: {  	_ = 	snop  }
0x3c: {  	p2 =	seq.s32 s10, $0x1;
	s10 =	sld [smem:$0x3FBA]  }
0x3d: {  	_ =	shalt  }
0x3e: {  	_ =	shalt  }
0x3f: {  	_ =	shalt  }
0x40: {  	_ =	shalt  }
0x41: {  	_ =	shalt  }
0x42: {  	_ =	shalt  }
0x43: {  	_ =	shalt  }
0x44: {  	_ =	shalt  }
0x45: {  	_ =	shalt  }
0x46: {  	_ =	shalt  }
0x47: {  	_ =	shalt  }
0x48: {  	_ =	shalt  }
0x49: {  	_ =	shalt  }
0x4a: {  	_ =	shalt  }
0x4b: {  	_ =	shalt  }
0x4c: {  	_ =	shalt  }
0x4d: {  	_ =	shalt  }
0x4e: {  	_ =	shalt  }
0x4f: {  	_ =	shalt  }
0x50: {  	_ =	shalt  }
0x51: {  	_ =	shalt  }
0x52: {  	_ =	shalt  }
0x53: {  	_ =	shalt  }
0x54: {  	_ =	shalt  }
0x55: {  	_ =	shalt  }
0x56: {  	_ =	shalt  }
0x57: {  	_ =	shalt  }
0x58: {  	_ =	shalt  }
0x59: {  	_ =	shalt  }
0x5a: {  	_ =	shalt  }
0x5b: {  	_ =	shalt  }
0x5c: {  	_ =	shalt  }
0x5d: {  	_ =	shalt  }
0x5e: {  	_ =	shalt  }
0x5f: {  	_ =	shalt  }
0x60: {  	_ =	shalt  }
0x61: {  	_ =	shalt  }
0x62: {  	_ =	shalt  }
0x63: {  	_ =	shalt  }
0x64: {  	_ =	shalt  }
0x65: {  	_ =	shalt  }
0x66: {  	_ =	shalt  }
0x67: {  	_ =	shalt  }
0x68: {  	_ =	shalt  }
0x69: {  	_ =	shalt  }
0x6a: {  	_ =	shalt  }
0x6b: {  	_ =	shalt  }
0x6c: {  	_ =	shalt  }
0x6d: {  	_ =	shalt  }
0x6e: {  	_ =	shalt  }
0x6f: {  	_ =	shalt  }
0x70: {  	_ =	shalt  }
0x71: {  	_ =	shalt  }
0x72: {  	_ =	shalt  }
0x73: {  	_ =	shalt  }
0x74: {  	_ =	shalt  }
0x75: {  	_ =	shalt  }
0x76: {  	_ =	shalt  }
0x77: {  	_ =	shalt  }
0x78: {  	_ =	shalt  }
0x79: {  	_ =	shalt  }
0x7a: {  	_ =	shalt  }
0x7b: {  	_ =	shalt  }
0x7c: {  	_ =	shalt  }
0x7d: {  	_ =	shalt  }
0x7e: {  	_ =	shalt  }
0x7f: {  	_ =	shalt  }
0x80: {  	_ =	shalt  }
0x81: {  	_ =	shalt  }
0x82: {  	_ =	shalt  }
0x83: {  	_ =	shalt  }
0x84: {  	_ =	shalt  }
0x85: {  	_ =	shalt  }
0x86: {  	_ =	shalt  }
0x87: {  	_ =	shalt  }
.Lfunc_end0:
.L_simem_size_0:
called_computation_lowered:
.L_overlay_start_0:
0x88: {  	s2 =	sld [smem:$0x3FD9]  }
0x89: {  	s3 =	sld [smem:$0x3FFE];
	_ =	sdelay $0x1  }
0x8a: {  	s1 =	srdreg.scid  }
0x8b: {  	s0 =	sand.u32 $0x1, s1  }
0x8c: {  	s14 =	sshll.u32 s0, $0xA;
	s2 =	sadd.s32 s3, s2  }
0x8d: {  	s2 =	sadd.s32 s2, s14  }
0x8e: {  	[smem:$0x3FC6] =	sst s2  }
0x8f: {  	_ = 	snop  }
0x90: {  	s2 =	sld [smem:$0x3FD0];
	_ =	sdelay $0x2  }
0x91: {  	s4 =	simm.s32 $0xA;
	s5 =	simm.s32 $0x10;
	s15 =	sld [smem:$0x3FC8]  }
0x92: {  	[smem:s5], [sflag:s4] =	dma.local [hbm:s2], $0x1  }
0x93: {  	_ =	swait.eq [sflag:s4], $0x1  }
0x94: {  	[sflag:s4] =	ssyncset.done $0x0  }
0x95: {  	s16 =	sld [smem:$0x10];
	[sflag:s4] =	ssyncadd.s32 $0xFFFFFFFF  }
0x96: {  	s17 =	sld [smem:$0x11];
	(tm) =	ssettm $0x1  }
0x97: {  	s18 =	sld [smem:$0x3FFB];
	_ =	sdelay $0x3  }
0x98: {  	_ =	strace s18  }
0x99: {  	s5 =	sld [smem:$0x3FFC];
	_ =	sdelay $0x3  }
0x9a: {  	_ =	strace s5  }
0x9b: {  	s5 =	sld [smem:$0x3FFD];
	_ =	sdelay $0x3  }
0x9c: {  	_ =	strace s5  }
0x9d: {  	_ =	strace $0x8FFFFFFF  }
0x9e: {  	s19 =	sld [smem:$0x3FDB];
	_ =	sdelay $0x1  }
0x9f: {  	s6 =	simm.s32 $_scs_section_size  }
0xa0: {  	s7 =	simm.s32 $_size__tile_overlayer_lowered;
	s8 =	simm.s32 $_tile_overlayer_lowered  }
0xa1: {  	s22 =	simm.s32 $0x1BFF;
	s21 =	sshll.u32 s8, $0x1;
	s5 =	sadd.s32 s6, s19  }
0xa2: {  	s9 =	simm.s32 $0x0;
	s20 =	sshll.u32 s7, $0x1;
	s7 =	sadd.s32 s21, s5  }
0xa3: {  	[timem:s9], [sflag:s22] =	dma.local [hbm:s7], s20  }
0xa4: {  	_ =	swait.ge [sflag:s22], s20  }
0xa5: {  	s6 =	ssub.s32 $0x0, s20;
	[sflag:s22] =	ssyncset.done $0x0  }
0xa6: {  	[sflag:s22] =	ssyncadd.s32 s6;
	_ =	sdelay $0x1  }
0xa7: {  	s23 =	simm.s32 $0x1B8B  }
0xa8: {  	_ =	swait.ge [sflag:s23], $0x1  }
0xa9: {  	[sflag:s23] =	ssyncset.done $0x0  }
0xaa: {  	s25 =	simm.s32 $0x1B8E;
	s24 =	sld [smem:$0x3FFE];
	[sflag:s23] =	ssyncadd.s32 $0xFFFFFFFF  }
0xab: {  	s26 =	simm.s32 $execute0_lowered;
	[smem:$0x3FD2] =	sst s25  }
0xac: {  	s7 =	sshll.u32 s26, $0x1;
	_ =	strace $0x80000046;
	[dreg:$0x1] =	wrdreg $0xFFFFFFFF  }
0xad: {  	s28 =	simm.s32 $_size_execute0_lowered;
	s5 =	sadd.s32 s5, s7;
	[dreg:$0x0] =	wrdreg $0x0  }
0xae: {  	s7 =	sshll.u32 s28, $0x1;
	[dreg:$0x2] =	wrdreg s5  }
0xaf: {  	[dreg:$0x3] =	wrdreg s7  }
0xb0: {  	[dreg:$0x4] =	wrdreg $0xC0  }
0xb1: {  	_ =	task [dreg:s9], $0x5FFFF  }
0xb2: {  	[dreg:$0x1] =	wrdreg $0xFFFFFFFF  }
0xb3: {  	[dreg:$0x0] =	wrdreg $0x60  }
0xb4: {  	[dreg:$0x2] =	wrdreg s24  }
0xb5: {  	[dreg:$0x3] =	wrdreg s15  }
0xb6: {  	[dreg:$0x4] =	wrdreg s16  }
0xb7: {  	[dreg:$0x5] =	wrdreg s17  }
0xb8: {  	[dreg:$0x6] =	wrdreg $0x9  }
0xb9: {  	_ =	task.clear_ibuf [dreg:s9], $0x7FFFF;
	_ =	strace $0x90000046  }
0xba: {  	s29 =	simm.s32 $0x9;
	_ =	strace $0x80000048  }
0xbb: {  	_ =	swait.ge [sflag:s29], $0x1  }
0xbc: {  	[sflag:s29] =	ssyncadd.s32 $0xFFFFFFFF  }
0xbd: {  	_ =	strace $0x90000048  }
0xbe: {  	_ =	sfence  }
0xbf: {  	s30 =	sld [smem:$0x0];
	_ =	sdelay $0x2  }
0xc0: {  	s31 =	sshll.u32 s1, $0xD;
	s1 =	sshrl.u32 s1, $0x2  }
0xc1: {  	s3 =	sand.u32 $0x4000, s31;
	s1 =	sadd.s32 s1, s30  }
0xc2: {  	s0 =	sor.u32 s3, s0;
	s1 =	sshll.u32 s1, $0x11  }
0xc3: {  	s0 =	sor.u32 s1, s0  }
0xc4: {  	s0 =	sadd.s32 $0x8F2B, s0  }
0xc5: {  	[sflag:s0] =	ssyncadd.remote.s32 $0x1  }
0xc6: {  	_ =	sfence.sel $0xFFFF  }
0xc7: {  	[dreg:$0x0] =	wrdreg $0xFFFFFFFF;
	(pc) =	sbr.abs _section_cstart, $3  }
0xc8: {  	[dreg:$0x1] =	wrdreg $0xFFFFFFFF  }
0xc9: {  	_ =	task.clear_ibuf [dreg:s9], $0x2FFFF;
	_ =	strace $0x9FFFFFFF  }
0xca: {  	(tm) =	ssettm $0x7FFFFFFF  }
0xcb: {  	_ =	shalt  }
tec
execute0_lowered:
.L_overlay_start_1:
0x0: {  	(tag) =	ssettag $0x1  }
0x1: {  	s0 =	rddreg [dreg:$0x0]  }
0x2: {  	s1 =	rddreg [dreg:$0x1];
	s2 =	srdreg.scid  }
0x3: {  	s11 =	stileid.u32;
	s4 =	rddreg [dreg:$0x2]  }
0x4: {  	s5 =	rddreg [dreg:$0x3];
	s28 =	simm.s32 $0x2;
	s29 =	simm.s32 $0x3  }
0x5: {  	s2 =	sand.u32 $0x1, s2;
	s3 =	sshll.u32 s11, $0x1;
	s17 =	smul.u32 $0x190, s11  }
0x6: {  	s30 =	simm.s32 $0x4;
	s22 =	smul.u32 $0xC8000, s11;
	s6 =	sor.u32 s2, s3  }
0x7: {  	s31 =	simm.s32 $0x5;
	s3 =	simm.s32 $0x0;
	s7 =	smul.u32 $0xC80, s6  }
0x8: {  	s8 =	ssub.s32 $0x2, s2;
	[smem:$0x7FF] =	sst s3;
	s6 =	smul.u32 $0x320000, s6  }
0x9: {  	s12 =	sshrl.u32 s8, $0x1;
	_ =	strace $0x80000047;
	s0 =	sadd.s32 s7, s0  }
0xa: {  	s6 =	sshrl.u32 s6, $0x3;
	s7 =	ssub.s32 s8, s12;
	s0 =	sadd.s32 $0x800, s0  }
0xb: {  	s13 =	sadd.s32 $0x61800, s6;
	s25 =	smax.u32 s7, $0x1;
	[dreg:$0x9] =	wrdreg s0  }
0xc: {  	s10 =	smul.u32 $0xC8, s2;
	s14 =	sadd.s32 s4, s13;
	[dreg:$0x14] =	wrdreg s25  }
0xd: {  	s15 =	sadd.s32 $0x62000, s6;
	s0 =	sadd.s32 s5, s13;
	[dreg:$0xa] =	wrdreg s14  }
0xe: {  	s18 =	sadd.s32 $0x62800, s6;
	s16 =	sadd.s32 s4, s15;
	[dreg:$0xb] =	wrdreg s0  }
0xf: {  	s2 =	smul.u32 $0x64000, s2;
	s12 =	sadd.s32 s4, s18;
	[dreg:$0xc] =	wrdreg s16  }
0x10: {  	s9 =	sadd.s32 $0x63000, s6;
	s8 =	sadd.s32 s5, s18;
	[dreg:$0xe] =	wrdreg s12  }
0x11: {  	s6 =	sadd.s32 $0x63800, s6;
	s19 =	sadd.s32 s4, s9;
	[dreg:$0xf] =	wrdreg s8  }
0x12: {  	s7 =	simm.s32 $0xA;
	s20 =	sadd.s32 s5, s9;
	[dreg:$0x10] =	wrdreg s19  }
0x13: {  	s21 =	sadd.s32 s4, s6;
	s6 =	sadd.s32 s5, s6;
	[dreg:$0x11] =	wrdreg s20  }
0x14: {  	s18 =	simm.s32 $0x6400;
	s25 =	simm.s32 $0x16400;
	[dreg:$0x12] =	wrdreg s21  }
0x15: {  	s9 =	simm.s32 $0x0;
	s0 =	sadd.s32 s5, s15;
	[dreg:$0x13] =	wrdreg s6  }
0x16: {  	s19 =	simm.s32 $0xA400;
	s21 =	simm.s32 $0xE400;
	s20 =	simm.s32 $0x7  }
0x17: {  	s6 =	simm.s32 $0xE;
	[dreg:$0xd] =	wrdreg s0;
	s0 =	sadd.s32 s10, s17  }
0x18: {  	s8 =	simm.s32 $0xF;
	s17 =	simm.s32 $0x80;
	s0 =	sshll.u32 s0, $0xB  }
0x19: {  	s23 =	sadd.s32 s0, s4;
	s0 =	sadd.s32 s0, s5;
	s5 =	sadd.s32 s22, s5  }
0x1a: {  	s4 =	sadd.s32 s22, s4;
	s22 =	simm.s32 $0xC;
	[dreg:$0x5] =	wrdreg s23  }
0x1b: {  	[dreg:$0x6] =	wrdreg s0;
	s24 =	sadd.s32 s2, s5;
	s26 =	sadd.s32 s2, s4  }
0x1c: {  	s23 =	simm.s32 $0x12400;
	s2 =	simm.s32 $0x6;
	s0 =	simm.s32 $0xB  }
0x1d: {  	s4 =	simm.s32 $0xD;
	s5 =	simm.s32 $0x9;
	[dreg:$0x7] =	wrdreg s24  }
0x1e: {  	[dreg:$0x8] =	wrdreg s26;
	s26 =	simm.s32 $0x1;
	s24 =	simm.s32 $0x8  }
.LBB2_1:
0x1f: {  	s10 =	rddreg [dreg:$0x9];
	s14 =	simm.s32 $0x10  }
0x20: {  	[tilespmem:s3], [sflag:$0x10] =	stream.linear.gather [hbm4b:s10+s3], $0x6400, $0x38;
	[tilespmem:$0x1A400] =	vst v63  }
0x21: {  	_ =	swait.ge [sflag:s14], $0x6400  }
0x22: {  	[sflag:s14] =	ssyncset.done $0x0  }
0x23: {  	[sflag:s14] =	ssyncadd.s32 $0xFFFF9C00  }
0x24: {  	[tilespmem:s18], [sflag:$0x1] =	stream.indirect.gather [hbm4b:s1+s17], $0x80, s3, s17, $0xb8;
	[tilespmem:$0x1A400] =	vst v63  }
0x25: {  	_ = 	snop  }
0x26: {  	[tilespmem:s19], [sflag:$0x2] =	stream.indirect.gather [hbm4b:s1+s17], $0x80, s17, s17, $0xb8;
	[tilespmem:$0x1A400] =	vst v63  }
0x27: {  	s15 =	simm.s32 $0x100  }
0x28: {  	[tilespmem:s21], [sflag:$0x3] =	stream.indirect.gather [hbm4b:s1+s17], $0x80, s15, s17, $0xb8;
	[tilespmem:$0x1A400] =	vst v63  }
0x29: {  	s16 =	simm.s32 $0x180  }
0x2a: {  	[tilespmem:s23], [sflag:$0x4] =	stream.indirect.gather [hbm4b:s1+s17], $0x80, s16, s17, $0xb8;
	[tilespmem:$0x1A400] =	vst v63  }
0x2b: {  	s11 =	simm.s32 $0x200  }
0x2c: {  	[tilespmem:s25], [sflag:$0x5] =	stream.indirect.gather [hbm4b:s1+s17], $0x80, s11, s17, $0xb8;
	[tilespmem:$0x1A400] =	vst v63  }
0x2d: {  	_ =	swait.ge [sflag:s26], $0x4000  }
0x2e: {  	s12 =	rddreg [dreg:$0x8];
	[sflag:s26] =	ssyncset.done $0x0  }
0x2f: {  	s11 =	rddreg [dreg:$0x7];
	[sflag:s26] =	ssyncadd.s32 $0xFFFFC000;
	s10 =	sadd.s32 $0x0, s12  }
0x30: {  	[hbm4b:s10+s3] =	stream.linear.scatter [tilespmem:s18], [sflag:$0x6], $0x4000, $0x38;
	[tilespmem:$0x1A400] =	vst v63  }
0x31: {  	s13 =	sadd.s32 $0x0, s11  }
0x32: {  	[hbm4b:s13+s3] =	stream.linear.scatter [tilespmem:s18], [sflag:$0xB], $0x4000, $0x38;
	[tilespmem:$0x1A400] =	vst v63  }
0x33: {  	_ =	swait.ge [sflag:s28], $0x4000  }
0x34: {  	s14 =	rddreg [dreg:$0x5]  }
0x35: {  	s15 =	rddreg [dreg:$0x6];
	[sflag:s28] =	ssyncset.done $0x0;
	s10 =	sadd.s32 $0x0, s14  }
0x36: {  	[sflag:s28] =	ssyncadd.s32 $0xFFFFC000;
	s11 =	sadd.s32 $0x0, s15;
	s12 =	sadd.s32 $0x800, s10  }
0x37: {  	[hbm4b:s12+s3] =	stream.linear.scatter [tilespmem:s19], [sflag:$0x7], $0x4000, $0x38;
	[tilespmem:$0x1A400] =	vst v63  }
0x38: {  	s16 =	sadd.s32 $0x800, s11  }
0x39: {  	[hbm4b:s16+s3] =	stream.linear.scatter [tilespmem:s19], [sflag:$0xC], $0x4000, $0x38;
	[tilespmem:$0x1A400] =	vst v63  }
0x3a: {  	_ =	swait.ge [sflag:s29], $0x4000  }
0x3b: {  	[sflag:s29] =	ssyncset.done $0x0  }
0x3c: {  	s13 =	sadd.s32 $0x1000, s10;
	[sflag:s29] =	ssyncadd.s32 $0xFFFFC000  }
0x3d: {  	[hbm4b:s13+s3] =	stream.linear.scatter [tilespmem:s21], [sflag:$0x8], $0x4000, $0x38;
	[tilespmem:$0x1A400] =	vst v63  }
0x3e: {  	s14 =	sadd.s32 $0x1000, s11  }
0x3f: {  	[hbm4b:s14+s3] =	stream.linear.scatter [tilespmem:s21], [sflag:$0xD], $0x4000, $0x38;
	[tilespmem:$0x1A400] =	vst v63  }
0x40: {  	_ =	swait.ge [sflag:s30], $0x4000  }
0x41: {  	[sflag:s30] =	ssyncset.done $0x0  }
0x42: {  	s15 =	sadd.s32 $0x1800, s10;
	[sflag:s30] =	ssyncadd.s32 $0xFFFFC000  }
0x43: {  	[hbm4b:s15+s3] =	stream.linear.scatter [tilespmem:s23], [sflag:$0x9], $0x4000, $0x38;
	[tilespmem:$0x1A400] =	vst v63  }
0x44: {  	s16 =	sadd.s32 $0x1800, s11  }
0x45: {  	[hbm4b:s16+s3] =	stream.linear.scatter [tilespmem:s23], [sflag:$0xE], $0x4000, $0x38;
	[tilespmem:$0x1A400] =	vst v63  }
0x46: {  	_ =	swait.ge [sflag:s31], $0x4000  }
0x47: {  	[sflag:s31] =	ssyncset.done $0x0  }
0x48: {  	s10 =	sadd.s32 $0x2000, s10;
	[sflag:s31] =	ssyncadd.s32 $0xFFFFC000  }
0x49: {  	[hbm4b:s10+s3] =	stream.linear.scatter [tilespmem:s25], [sflag:$0xA], $0x4000, $0x38;
	[tilespmem:$0x1A400] =	vst v63  }
0x4a: {  	s12 =	sadd.s32 $0x2000, s11  }
0x4b: {  	[hbm4b:s12+s3] =	stream.linear.scatter [tilespmem:s25], [sflag:$0xF], $0x4000, $0x38;
	[tilespmem:$0x1A400] =	vst v63  }
0x4c: {  	_ =	swait.ge [sflag:s2], $0x4000  }
0x4d: {  	[sflag:s2] =	ssyncset.done $0x0  }
0x4e: {  	[sflag:s2] =	ssyncadd.s32 $0xFFFFC000  }
0x4f: {  	_ =	swait.ge [sflag:s0], $0x4000  }
0x50: {  	[sflag:s0] =	ssyncset.done $0x0  }
0x51: {  	s13 =	simm.s32 $0x280;
	[sflag:s0] =	ssyncadd.s32 $0xFFFFC000  }
0x52: {  	[tilespmem:s18], [sflag:$0x1] =	stream.indirect.gather [hbm4b:s1+s17], $0x80, s13, s17, $0xb8;
	[tilespmem:$0x1A400] =	vst v63  }
0x53: {  	_ =	swait.ge [sflag:s20], $0x4000  }
0x54: {  	[sflag:s20] =	ssyncset.done $0x0  }
0x55: {  	[sflag:s20] =	ssyncadd.s32 $0xFFFFC000  }
0x56: {  	_ =	swait.ge [sflag:s22], $0x4000  }
0x57: {  	[sflag:s22] =	ssyncset.done $0x0  }
0x58: {  	s14 =	simm.s32 $0x300;
	[sflag:s22] =	ssyncadd.s32 $0xFFFFC000  }
0x59: {  	[tilespmem:s19], [sflag:$0x2] =	stream.indirect.gather [hbm4b:s1+s17], $0x80, s14, s17, $0xb8;
	[tilespmem:$0x1A400] =	vst v63  }
0x5a: {  	_ =	swait.ge [sflag:s24], $0x4000  }
0x5b: {  	[sflag:s24] =	ssyncset.done $0x0  }
0x5c: {  	[sflag:s24] =	ssyncadd.s32 $0xFFFFC000  }
0x5d: {  	_ =	swait.ge [sflag:s4], $0x4000  }
0x5e: {  	[sflag:s4] =	ssyncset.done $0x0  }
0x5f: {  	s15 =	simm.s32 $0x380;
	[sflag:s4] =	ssyncadd.s32 $0xFFFFC000  }
0x60: {  	[tilespmem:s21], [sflag:$0x3] =	stream.indirect.gather [hbm4b:s1+s17], $0x80, s15, s17, $0xb8;
	[tilespmem:$0x1A400] =	vst v63  }
0x61: {  	_ =	swait.ge [sflag:s5], $0x4000  }
0x62: {  	[sflag:s5] =	ssyncset.done $0x0  }
0x63: {  	[sflag:s5] =	ssyncadd.s32 $0xFFFFC000  }
0x64: {  	_ =	swait.ge [sflag:s6], $0x4000  }
0x65: {  	[sflag:s6] =	ssyncset.done $0x0  }
0x66: {  	s16 =	simm.s32 $0x400;
	[sflag:s6] =	ssyncadd.s32 $0xFFFFC000  }
0x67: {  	[tilespmem:s23], [sflag:$0x4] =	stream.indirect.gather [hbm4b:s1+s17], $0x80, s16, s17, $0xb8;
	[tilespmem:$0x1A400] =	vst v63  }
0x68: {  	_ =	swait.ge [sflag:s7], $0x4000  }
0x69: {  	[sflag:s7] =	ssyncset.done $0x0  }
0x6a: {  	[sflag:s7] =	ssyncadd.s32 $0xFFFFC000  }
0x6b: {  	s11 =	simm.s32 $0x2800;
	_ =	swait.ge [sflag:s8], $0x4000  }
0x6c: {  	s10 =	simm.s32 $0x480;
	s12 =	simm.s32 $0x480;
	[sflag:s8] =	ssyncset.done $0x0  }
.LBB2_2:
0x6d: {  	[sflag:s8] =	ssyncadd.s32 $0xFFFFC000  }
0x6e: {  	[tilespmem:s25], [sflag:$0x5] =	stream.indirect.gather [hbm4b:s1+s17], $0x80, s12, s17, $0xb8;
	[tilespmem:$0x1A400] =	vst v63  }
0x6f: {  	_ =	swait.ge [sflag:s26], $0x4000  }
0x70: {  	s13 =	smov.u32 s11;
	s14 =	rddreg [dreg:$0x8];
	[sflag:s26] =	ssyncset.done $0x0  }
0x71: {  	s15 =	rddreg [dreg:$0x7];
	[sflag:s26] =	ssyncadd.s32 $0xFFFFC000;
	s14 =	sadd.s32 s13, s14  }
0x72: {  	[hbm4b:s14+s3] =	stream.linear.scatter [tilespmem:s18], [sflag:$0x6], $0x4000, $0x38;
	[tilespmem:$0x1A400] =	vst v63  }
0x73: {  	s15 =	sadd.s32 s13, s15  }
0x74: {  	[hbm4b:s15+s3] =	stream.linear.scatter [tilespmem:s18], [sflag:$0xB], $0x4000, $0x38;
	[tilespmem:$0x1A400] =	vst v63  }
0x75: {  	_ =	swait.ge [sflag:s28], $0x4000  }
0x76: {  	s16 =	rddreg [dreg:$0x5]  }
0x77: {  	s15 =	rddreg [dreg:$0x6];
	[sflag:s28] =	ssyncset.done $0x0;
	s14 =	sadd.s32 s13, s16  }
0x78: {  	[sflag:s28] =	ssyncadd.s32 $0xFFFFC000;
	s13 =	sadd.s32 s13, s15;
	s16 =	sadd.s32 $0x800, s14  }
0x79: {  	[hbm4b:s16+s3] =	stream.linear.scatter [tilespmem:s19], [sflag:$0x7], $0x4000, $0x38;
	[tilespmem:$0x1A400] =	vst v63  }
0x7a: {  	s15 =	sadd.s32 $0x800, s13  }
0x7b: {  	[hbm4b:s15+s3] =	stream.linear.scatter [tilespmem:s19], [sflag:$0xC], $0x4000, $0x38;
	[tilespmem:$0x1A400] =	vst v63  }
0x7c: {  	_ =	swait.ge [sflag:s29], $0x4000  }
0x7d: {  	[sflag:s29] =	ssyncset.done $0x0  }
0x7e: {  	s15 =	sadd.s32 $0x1000, s14;
	[sflag:s29] =	ssyncadd.s32 $0xFFFFC000  }
0x7f: {  	[hbm4b:s15+s3] =	stream.linear.scatter [tilespmem:s21], [sflag:$0x8], $0x4000, $0x38;
	[tilespmem:$0x1A400] =	vst v63  }
0x80: {  	s16 =	sadd.s32 $0x1000, s13  }
0x81: {  	[hbm4b:s16+s3] =	stream.linear.scatter [tilespmem:s21], [sflag:$0xD], $0x4000, $0x38;
	[tilespmem:$0x1A400] =	vst v63  }
0x82: {  	_ =	swait.ge [sflag:s30], $0x4000  }
0x83: {  	[sflag:s30] =	ssyncset.done $0x0  }
0x84: {  	s15 =	sadd.s32 $0x1800, s14;
	[sflag:s30] =	ssyncadd.s32 $0xFFFFC000  }
0x85: {  	[hbm4b:s15+s3] =	stream.linear.scatter [tilespmem:s23], [sflag:$0x9], $0x4000, $0x38;
	[tilespmem:$0x1A400] =	vst v63  }
0x86: {  	s16 =	sadd.s32 $0x1800, s13  }
0x87: {  	[hbm4b:s16+s3] =	stream.linear.scatter [tilespmem:s23], [sflag:$0xE], $0x4000, $0x38;
	[tilespmem:$0x1A400] =	vst v63  }
0x88: {  	_ =	swait.ge [sflag:s31], $0x4000  }
0x89: {  	[sflag:s31] =	ssyncset.done $0x0  }
0x8a: {  	s14 =	sadd.s32 $0x2000, s14;
	[sflag:s31] =	ssyncadd.s32 $0xFFFFC000  }
0x8b: {  	[hbm4b:s14+s3] =	stream.linear.scatter [tilespmem:s25], [sflag:$0xA], $0x4000, $0x38;
	[tilespmem:$0x1A400] =	vst v63  }
0x8c: {  	s13 =	sadd.s32 $0x2000, s13  }
0x8d: {  	[hbm4b:s13+s3] =	stream.linear.scatter [tilespmem:s25], [sflag:$0xF], $0x4000, $0x38;
	[tilespmem:$0x1A400] =	vst v63  }
0x8e: {  	_ =	swait.ge [sflag:s2], $0x4000  }
0x8f: {  	[sflag:s2] =	ssyncset.done $0x0  }
0x90: {  	[sflag:s2] =	ssyncadd.s32 $0xFFFFC000  }
0x91: {  	_ =	swait.ge [sflag:s0], $0x4000  }
0x92: {  	s10 =	sadd.s32 $0x280, s10;
	[sflag:s0] =	ssyncset.done $0x0  }
0x93: {  	s16 =	sadd.s32 $0xFFFFFE00, s10;
	[sflag:s0] =	ssyncadd.s32 $0xFFFFC000  }
0x94: {  	[tilespmem:s18], [sflag:$0x1] =	stream.indirect.gather [hbm4b:s1+s17], $0x80, s16, s17, $0xb8;
	[tilespmem:$0x1A400] =	vst v63  }
0x95: {  	_ =	swait.ge [sflag:s20], $0x4000  }
0x96: {  	[sflag:s20] =	ssyncset.done $0x0  }
0x97: {  	[sflag:s20] =	ssyncadd.s32 $0xFFFFC000  }
0x98: {  	_ =	swait.ge [sflag:s22], $0x4000  }
0x99: {  	[sflag:s22] =	ssyncset.done $0x0  }
0x9a: {  	s14 =	sadd.s32 $0xFFFFFE80, s10;
	[sflag:s22] =	ssyncadd.s32 $0xFFFFC000  }
0x9b: {  	[tilespmem:s19], [sflag:$0x2] =	stream.indirect.gather [hbm4b:s1+s17], $0x80, s14, s17, $0xb8;
	[tilespmem:$0x1A400] =	vst v63  }
0x9c: {  	_ =	swait.ge [sflag:s24], $0x4000  }
0x9d: {  	[sflag:s24] =	ssyncset.done $0x0  }
0x9e: {  	[sflag:s24] =	ssyncadd.s32 $0xFFFFC000  }
0x9f: {  	_ =	swait.ge [sflag:s4], $0x4000  }
0xa0: {  	[sflag:s4] =	ssyncset.done $0x0  }
0xa1: {  	s15 =	sadd.s32 $0xFFFFFF00, s10;
	[sflag:s4] =	ssyncadd.s32 $0xFFFFC000  }
0xa2: {  	[tilespmem:s21], [sflag:$0x3] =	stream.indirect.gather [hbm4b:s1+s17], $0x80, s15, s17, $0xb8;
	[tilespmem:$0x1A400] =	vst v63  }
0xa3: {  	_ =	swait.ge [sflag:s5], $0x4000  }
0xa4: {  	[sflag:s5] =	ssyncset.done $0x0  }
0xa5: {  	[sflag:s5] =	ssyncadd.s32 $0xFFFFC000  }
0xa6: {  	_ =	swait.ge [sflag:s6], $0x4000  }
0xa7: {  	[sflag:s6] =	ssyncset.done $0x0  }
0xa8: {  	p0 =	sne.s32 s11, $0x5F000;
	s16 =	sadd.s32 $0xFFFFFF80, s10;
	[sflag:s6] =	ssyncadd.s32 $0xFFFFC000  }
0xa9: {  	[tilespmem:s23], [sflag:$0x4] =	stream.indirect.gather [hbm4b:s1+s17], $0x80, s16, s17, $0xb8;
	[tilespmem:$0x1A400] =	vst v63  }
.Ltmp0:
0xaa: {  	_ =	swait.ge [sflag:s7], $0x4000;
	(pc) =	sbr.rel @p0 .LBB2_2-.Ltmp0, $4  }
0xab: {  	[sflag:s7] =	ssyncset.done $0x0  }
0xac: {  	[sflag:s7] =	ssyncadd.s32 $0xFFFFC000  }
0xad: {  	_ =	swait.ge [sflag:s8], $0x4000  }
0xae: {  	s11 =	sadd.s32 $0x2800, s11;
	s12 =	smov.u32 s10;
	[sflag:s8] =	ssyncset.done $0x0  }
0xaf: {  	[sflag:s8] =	ssyncadd.s32 $0xFFFFC000  }
0xb0: {  	[tilespmem:s25], [sflag:$0x5] =	stream.indirect.gather [hbm4b:s1+s17], $0x80, s12, s17, $0xb8;
	[tilespmem:$0x1A400] =	vst v63  }
0xb1: {  	_ =	swait.ge [sflag:s26], $0x4000  }
0xb2: {  	[sflag:s26] =	ssyncset.done $0x0  }
0xb3: {  	s10 =	rddreg [dreg:$0xa];
	[sflag:s26] =	ssyncadd.s32 $0xFFFFC000  }
0xb4: {  	[hbm4b:s10+s3] =	stream.linear.scatter [tilespmem:s18], [sflag:$0x6], $0x4000, $0x38;
	[tilespmem:$0x1A400] =	vst v63  }
0xb5: {  	s13 =	rddreg [dreg:$0xb]  }
0xb6: {  	[hbm4b:s13+s3] =	stream.linear.scatter [tilespmem:s18], [sflag:$0xB], $0x4000, $0x38;
	[tilespmem:$0x1A400] =	vst v63  }
0xb7: {  	_ =	swait.ge [sflag:s28], $0x4000  }
0xb8: {  	[sflag:s28] =	ssyncset.done $0x0  }
0xb9: {  	s14 =	rddreg [dreg:$0xc];
	[sflag:s28] =	ssyncadd.s32 $0xFFFFC000  }
0xba: {  	[hbm4b:s14+s3] =	stream.linear.scatter [tilespmem:s19], [sflag:$0x7], $0x4000, $0x38;
	[tilespmem:$0x1A400] =	vst v63  }
0xbb: {  	s15 =	rddreg [dreg:$0xd]  }
0xbc: {  	[hbm4b:s15+s3] =	stream.linear.scatter [tilespmem:s19], [sflag:$0xC], $0x4000, $0x38;
	[tilespmem:$0x1A400] =	vst v63  }
0xbd: {  	_ =	swait.ge [sflag:s29], $0x4000  }
0xbe: {  	[sflag:s29] =	ssyncset.done $0x0  }
0xbf: {  	s16 =	rddreg [dreg:$0xe];
	[sflag:s29] =	ssyncadd.s32 $0xFFFFC000  }
0xc0: {  	[hbm4b:s16+s3] =	stream.linear.scatter [tilespmem:s21], [sflag:$0x8], $0x4000, $0x38;
	[tilespmem:$0x1A400] =	vst v63  }
0xc1: {  	s11 =	rddreg [dreg:$0xf]  }
0xc2: {  	[hbm4b:s11+s3] =	stream.linear.scatter [tilespmem:s21], [sflag:$0xD], $0x4000, $0x38;
	[tilespmem:$0x1A400] =	vst v63  }
0xc3: {  	_ =	swait.ge [sflag:s30], $0x4000  }
0xc4: {  	[sflag:s30] =	ssyncset.done $0x0  }
0xc5: {  	s12 =	rddreg [dreg:$0x10];
	[sflag:s30] =	ssyncadd.s32 $0xFFFFC000  }
0xc6: {  	[hbm4b:s12+s3] =	stream.linear.scatter [tilespmem:s23], [sflag:$0x9], $0x4000, $0x38;
	[tilespmem:$0x1A400] =	vst v63  }
0xc7: {  	s13 =	rddreg [dreg:$0x11]  }
0xc8: {  	[hbm4b:s13+s3] =	stream.linear.scatter [tilespmem:s23], [sflag:$0xE], $0x4000, $0x38;
	[tilespmem:$0x1A400] =	vst v63  }
0xc9: {  	_ =	swait.ge [sflag:s31], $0x4000  }
0xca: {  	[sflag:s31] =	ssyncset.done $0x0  }
0xcb: {  	s14 =	rddreg [dreg:$0x12];
	[sflag:s31] =	ssyncadd.s32 $0xFFFFC000  }
0xcc: {  	[hbm4b:s14+s3] =	stream.linear.scatter [tilespmem:s25], [sflag:$0xA], $0x4000, $0x38;
	[tilespmem:$0x1A400] =	vst v63  }
0xcd: {  	s15 =	rddreg [dreg:$0x13]  }
0xce: {  	[hbm4b:s15+s3] =	stream.linear.scatter [tilespmem:s25], [sflag:$0xF], $0x4000, $0x38;
	[tilespmem:$0x1A400] =	vst v63  }
0xcf: {  	_ =	swait.ge [sflag:s2], $0x4000  }
0xd0: {  	[sflag:s2] =	ssyncset.done $0x0  }
0xd1: {  	[sflag:s2] =	ssyncadd.s32 $0xFFFFC000  }
0xd2: {  	_ =	swait.ge [sflag:s0], $0x4000  }
0xd3: {  	[sflag:s0] =	ssyncset.done $0x0  }
0xd4: {  	[sflag:s0] =	ssyncadd.s32 $0xFFFFC000  }
0xd5: {  	_ =	swait.ge [sflag:s20], $0x4000  }
0xd6: {  	[sflag:s20] =	ssyncset.done $0x0  }
0xd7: {  	[sflag:s20] =	ssyncadd.s32 $0xFFFFC000  }
0xd8: {  	_ =	swait.ge [sflag:s22], $0x4000  }
0xd9: {  	[sflag:s22] =	ssyncset.done $0x0  }
0xda: {  	[sflag:s22] =	ssyncadd.s32 $0xFFFFC000  }
0xdb: {  	_ =	swait.ge [sflag:s24], $0x4000  }
0xdc: {  	[sflag:s24] =	ssyncset.done $0x0  }
0xdd: {  	[sflag:s24] =	ssyncadd.s32 $0xFFFFC000  }
0xde: {  	_ =	swait.ge [sflag:s4], $0x4000  }
0xdf: {  	[sflag:s4] =	ssyncset.done $0x0  }
0xe0: {  	[sflag:s4] =	ssyncadd.s32 $0xFFFFC000  }
0xe1: {  	_ =	swait.ge [sflag:s5], $0x4000  }
0xe2: {  	[sflag:s5] =	ssyncset.done $0x0  }
0xe3: {  	[sflag:s5] =	ssyncadd.s32 $0xFFFFC000  }
0xe4: {  	_ =	swait.ge [sflag:s6], $0x4000  }
0xe5: {  	[sflag:s6] =	ssyncset.done $0x0  }
0xe6: {  	[sflag:s6] =	ssyncadd.s32 $0xFFFFC000  }
0xe7: {  	_ =	swait.ge [sflag:s7], $0x4000  }
0xe8: {  	[sflag:s7] =	ssyncset.done $0x0  }
0xe9: {  	[sflag:s7] =	ssyncadd.s32 $0xFFFFC000  }
0xea: {  	_ =	swait.ge [sflag:s8], $0x4000  }
0xeb: {  	s9 =	sadd.s32 $0x1, s9;
	s16 =	rddreg [dreg:$0x14]  }
0xec: {  	p0 =	sne.s32 s9, s16  }
.Ltmp1:
0xed: {  	_ = 	snop;
	(pc) =	sbr.rel @p0 .LBB2_1-.Ltmp1, $3  }
0xee: {  	_ =	sdelay $0x1  }
0xef: {  	[sflag:s8] =	ssyncset.done $0x0  }
0xf0: {  	[sflag:s8] =	ssyncadd.s32 $0xFFFFC000  }
0xf1: {  	_ =	sfence.sel $0x180000  }
0xf2: {  	[bflag:$0x0] =	sbarrier.arrive $0xFFFF  }
0xf3: {  	_ =	strace $0x90000047  }
0xf4: {  	s0 =	stileid.u32;
	[bflag:$0x2] =	sbarrier.arrive $0xFFFF  }
0xf5: {  	p0 =	sne.s32 s0, $0x0;
	s0 =	rddreg [dreg:$0x4]  }
0xf6: {  	s0 =	sadd.s32 @!p0 $0x100000, s0  }
0xf7: {  	[sflag:s0] =	ssyncadd.tile.s32 @!p0 $0x1;
	_ =	shalt  }
.Lfunc_end2:
_tile_overlayer_lowered:
.L_overlay_start_2:
0xf8: {  	(tag) =	ssettag $0x2  }
0xf9: {  	s0 =	rddreg [dreg:$0x0];
	s2 =	stileid.u32  }
0xfa: {  	s1 =	rddreg [dreg:$0x1];
	p0 =	sne.s32 s2, $0x0  }
0xfb: {  	s3 =	rddreg [dreg:$0x2];
	[bflag:$0x3] =	sbarrier.arrive $0xFFFF;
	s2 =	simm.s32 @!p0 $0x1C10  }
0xfc: {  	[timem:s3], [sflag:s2] =	dma.local @!p0 [hbm:s0], s1  }
0xfd: {  	s0 =	simm.s32 @!p0 $0x10  }
0xfe: {  	_ =	swait.ge @!p0 [sflag:s0], s1  }
0xff: {  	s1 =	ssub.s32 @!p0 $0x0, s1;
	[sflag:s0] =	ssyncset.done @!p0 $0x0  }
0x100: {  	[sflag:s0] =	ssyncadd.s32 @!p0 s1  }
0x101: {  	[bflag:$0x3] =	sbarrier.arrive $0xFFFF  }
0x102: {  	_ =	shalt  }

</sc_bundles>
